<compile_context>
chip_gen: v7x
topology: tpu7x:2x2x1
jax: 0.10.2.dev20260603
libtpu: 0.0.44.dev20260713+nightly
codegen_flags: <defaults>
</compile_context>

<pallas_src>
import jax
import jax.numpy as jnp
from jax import lax
from jax.experimental import pallas as pl
from jax.experimental.pallas import tpu as pltpu
from jax.experimental.pallas import tpu_sc as plsc

BATCH = 16384
FACTORS = 64
L = 16
NC, NS = 2, 16
NW = NC * NS
BPW = BATCH // NW
NG = BPW // L


def _body(user_r, item_i_r, item_j_r, uf_r, if_r, out_r,
          idx_u, idx_i, idx_j, bu, bi, bj, tbuf, out_v, sem):
    wid = lax.axis_index("s") * NC + lax.axis_index("c")

    pltpu.sync_copy(user_r.at[wid], idx_u)
    pltpu.sync_copy(item_i_r.at[wid], idx_i)
    pltpu.sync_copy(item_j_r.at[wid], idx_j)

    lanes = lax.iota(jnp.int32, L)

    def group(g, carry):
        kuv = idx_u[pl.ds(g * L, L)]
        kiv = idx_i[pl.ds(g * L, L)]
        kjv = idx_j[pl.ds(g * L, L)]
        cu = pltpu.async_copy(
            uf_r.at[lax.shift_right_logical(kuv, 1)], bu, sem)
        ci = pltpu.async_copy(
            if_r.at[lax.shift_right_logical(kiv, 1)], bi, sem)
        cj = pltpu.async_copy(
            if_r.at[lax.shift_right_logical(kjv, 1)], bj, sem)
        huv = lax.bitwise_and(kuv, jnp.int32(1)) * FACTORS
        hiv = lax.bitwise_and(kiv, jnp.int32(1)) * FACTORS
        hjv = lax.bitwise_and(kjv, jnp.int32(1)) * FACTORS
        cu.wait()
        ci.wait()
        cj.wait()
        for s in range(L):
            hu = huv[s]
            hi = hiv[s]
            hj = hjv[s]
            acc = jnp.zeros((L,), jnp.float32)
            for c in range(FACTORS // L):
                u = bu[s, pl.ds(hu + c * L, L)]
                vi = bi[s, pl.ds(hi + c * L, L)]
                vj = bj[s, pl.ds(hj + c * L, L)]
                acc = acc + u * (vi - vj)
            plsc.store_scatter(
                tbuf, [lanes, jnp.full((L,), s, jnp.int32)], acc)
        tot = tbuf[0, :]
        for r in range(1, L):
            tot = tot + tbuf[r, :]
        out_v[pl.ds(g * L, L)] = tot
        return carry

    lax.fori_loop(0, NG, group, 0)
    pltpu.sync_copy(out_v, out_r.at[pl.ds(wid * BPW, BPW)])


def kernel(user, item_i, item_j, user_factors, item_factors):
    user2 = user.reshape(NW, BPW)
    ii2 = item_i.reshape(NW, BPW)
    ij2 = item_j.reshape(NW, BPW)
    mesh = plsc.VectorSubcoreMesh(core_axis_name="c", subcore_axis_name="s")
    params = pltpu.CompilerParams(needs_layout_passes=False)

    gather = pl.kernel(
        _body,
        out_type=jax.ShapeDtypeStruct((BATCH,), jnp.float32),
        mesh=mesh,
        compiler_params=params,
        scratch_types=[
            pltpu.VMEM((BPW,), jnp.int32),
            pltpu.VMEM((BPW,), jnp.int32),
            pltpu.VMEM((BPW,), jnp.int32),
            pltpu.VMEM((L, 2 * FACTORS), jnp.float32),
            pltpu.VMEM((L, 2 * FACTORS), jnp.float32),
            pltpu.VMEM((L, 2 * FACTORS), jnp.float32),
            pltpu.VMEM((L, L), jnp.float32),
            pltpu.VMEM((BPW,), jnp.float32),
            pltpu.SemaphoreType.DMA,
        ],
    )
    uf2 = user_factors.reshape(-1, 2 * FACTORS)
    if2 = item_factors.reshape(-1, 2 * FACTORS)
    return gather(user2, ii2, ij2, uf2, if2)

# --- scband reference (transcript-rebuilt; emitter-appended) ---
"""Pipeline reference for scband-bprmf-46420006535848 (READ-ONLY COPY).

The authoritative reference and input builder live on the scoring server;
editing this copy changes nothing except your own understanding.
"""

import jax, jax.numpy as jnp
import numpy as np

NUM_USERS = 1000000
NUM_ITEMS = 1000000
FACTORS = 64
BATCH = 16384

def setup_inputs(seed: int = 0) -> dict:
    key = jax.random.key(seed)
    k1, k2, k3, k4, k5 = jax.random.split(key, 5)
    user = jax.random.randint(k1, (BATCH,), 0, NUM_USERS, dtype=jnp.int64 if jax.config.jax_enable_x64 else jnp.int32).astype(jnp.int32)
    item_i = jax.random.randint(k2, (BATCH,), 0, NUM_ITEMS).astype(jnp.int32)
    item_j = jax.random.randint(k3, (BATCH,), 0, NUM_ITEMS).astype(jnp.int32)
    user_factors = jax.random.normal(k4, (NUM_USERS, FACTORS), dtype=jnp.float32) * 0.01
    item_factors = jax.random.normal(k5, (NUM_ITEMS, FACTORS), dtype=jnp.float32) * 0.01
    return {"user": user, "item_i": item_i, "item_j": item_j,
            "user_factors": user_factors, "item_factors": item_factors}

def reference(user, item_i, item_j, user_factors, item_factors):
    u = jnp.take(user_factors, user, axis=0)
    vi = jnp.take(item_factors, item_i, axis=0)
    vj = jnp.take(item_factors, item_j, axis=0)
    prediction_i = jnp.sum(u * vi, axis=1)
    prediction_j = jnp.sum(u * vj, axis=1)
    return prediction_i - prediction_j

if __name__ == "__main__":
    import jax
    _d = setup_inputs()
    print(jax.jit(kernel)(*tuple(_d.values())))

</pallas_src>

<mosaic_0001>
#map = affine_map<(d0, d1) -> (0, 0)>
#map1 = affine_map<(d0, d1) -> (0)>
module attributes {stable_mosaic.version = 14 : i64} {
  func.func @_body(%arg0: i32, %arg1: i32, %arg2: memref<32x512xi32, #tpu.memory_space<hbm>>, %arg3: memref<32x512xi32, #tpu.memory_space<hbm>>, %arg4: memref<32x512xi32, #tpu.memory_space<hbm>>, %arg5: memref<500000x128xf32, #tpu.memory_space<hbm>>, %arg6: memref<500000x128xf32, #tpu.memory_space<hbm>>, %arg7: memref<16384xf32, #tpu.memory_space<hbm>>, %arg8: memref<512xi32, #tpu.memory_space<vmem>>, %arg9: memref<512xi32, #tpu.memory_space<vmem>>, %arg10: memref<512xi32, #tpu.memory_space<vmem>>, %arg11: memref<16x128xf32, #tpu.memory_space<vmem>>, %arg12: memref<16x128xf32, #tpu.memory_space<vmem>>, %arg13: memref<16x128xf32, #tpu.memory_space<vmem>>, %arg14: memref<16x16xf32, #tpu.memory_space<vmem>>, %arg15: memref<512xf32, #tpu.memory_space<vmem>>, %arg16: memref<!tpu.dma_semaphore, #tpu.memory_space<semaphore_mem>>) attributes {dimension_semantics = [#tpu.dimension_semantics<core_parallel>, #tpu.dimension_semantics<subcore_parallel>], iteration_bounds = array<i64: 2, 16>, scalar_prefetch = 0 : i64, scratch_operands = 9 : i64, tpu.core_type = #tpu.core_type<sc_vector_subcore>, window_params = [{transform_indices = #map}, {transform_indices = #map}, {transform_indices = #map}, {transform_indices = #map}, {transform_indices = #map}, {transform_indices = #map1}]} {
    %mul3A = arith.constant 2 : i32
    %mul3A_0 = arith.muli %arg1, %mul3A : i32
    %add3A = arith.addi %mul3A_0, %arg0 : i32
    "tpu.region"() ({
      %run_scoped3A = tpu.sem_alloc : memref<!tpu.dma_semaphore, #tpu.memory_space<semaphore_mem>>
      %dma_start3A = arith.constant 0 : i32
      %dma_start3A_8 = tpu.memref_slice %arg2[%add3A, %dma_start3A] : memref<32x512xi32, #tpu.memory_space<hbm>> -> memref<1x512xi32, #tpu.memory_space<hbm>>
      %dma_start3A_9 = tpu.memref_squeeze %dma_start3A_8 : memref<1x512xi32, #tpu.memory_space<hbm>> -> memref<512xi32, #tpu.memory_space<hbm>>
      %dma_start3A_10 = arith.constant 0 : i32
      %dma_start3A_11 = tpu.memref_slice %arg2[%add3A, %dma_start3A_10] : memref<32x512xi32, #tpu.memory_space<hbm>> -> memref<1x512xi32, #tpu.memory_space<hbm>>
      %dma_start3A_12 = tpu.memref_squeeze %dma_start3A_11 : memref<1x512xi32, #tpu.memory_space<hbm>> -> memref<512xi32, #tpu.memory_space<hbm>>
      tpu.enqueue_dma source(%dma_start3A_12 : memref<512xi32, #tpu.memory_space<hbm>>) target(%arg8 : memref<512xi32, #tpu.memory_space<vmem>>) target_semaphore(%run_scoped3A : memref<!tpu.dma_semaphore, #tpu.memory_space<semaphore_mem>>)
      %dma_wait3A = arith.constant 0 : i32
      %dma_wait3A_13 = tpu.memref_slice %arg2[%add3A, %dma_wait3A] : memref<32x512xi32, #tpu.memory_space<hbm>> -> memref<1x512xi32, #tpu.memory_space<hbm>>
      %dma_wait3A_14 = tpu.memref_squeeze %dma_wait3A_13 : memref<1x512xi32, #tpu.memory_space<hbm>> -> memref<512xi32, #tpu.memory_space<hbm>>
      %dma_wait3A_15 = arith.constant 0 : i32
      %dma_wait3A_16 = tpu.memref_slice %arg2[%add3A, %dma_wait3A_15] : memref<32x512xi32, #tpu.memory_space<hbm>> -> memref<1x512xi32, #tpu.memory_space<hbm>>
      %dma_wait3A_17 = tpu.memref_squeeze %dma_wait3A_16 : memref<1x512xi32, #tpu.memory_space<hbm>> -> memref<512xi32, #tpu.memory_space<hbm>>
      tpu.wait_dma2 semaphore(%run_scoped3A : memref<!tpu.dma_semaphore, #tpu.memory_space<semaphore_mem>>) src(%dma_wait3A_17 : memref<512xi32, #tpu.memory_space<hbm>>) dst(%arg8 : memref<512xi32, #tpu.memory_space<vmem>>)
      tpu.yield
    }) : () -> ()
    "tpu.region"() ({
      %run_scoped3A = tpu.sem_alloc : memref<!tpu.dma_semaphore, #tpu.memory_space<semaphore_mem>>
      %dma_start3A = arith.constant 0 : i32
      %dma_start3A_8 = tpu.memref_slice %arg3[%add3A, %dma_start3A] : memref<32x512xi32, #tpu.memory_space<hbm>> -> memref<1x512xi32, #tpu.memory_space<hbm>>
      %dma_start3A_9 = tpu.memref_squeeze %dma_start3A_8 : memref<1x512xi32, #tpu.memory_space<hbm>> -> memref<512xi32, #tpu.memory_space<hbm>>
      %dma_start3A_10 = arith.constant 0 : i32
      %dma_start3A_11 = tpu.memref_slice %arg3[%add3A, %dma_start3A_10] : memref<32x512xi32, #tpu.memory_space<hbm>> -> memref<1x512xi32, #tpu.memory_space<hbm>>
      %dma_start3A_12 = tpu.memref_squeeze %dma_start3A_11 : memref<1x512xi32, #tpu.memory_space<hbm>> -> memref<512xi32, #tpu.memory_space<hbm>>
      tpu.enqueue_dma source(%dma_start3A_12 : memref<512xi32, #tpu.memory_space<hbm>>) target(%arg9 : memref<512xi32, #tpu.memory_space<vmem>>) target_semaphore(%run_scoped3A : memref<!tpu.dma_semaphore, #tpu.memory_space<semaphore_mem>>)
      %dma_wait3A = arith.constant 0 : i32
      %dma_wait3A_13 = tpu.memref_slice %arg3[%add3A, %dma_wait3A] : memref<32x512xi32, #tpu.memory_space<hbm>> -> memref<1x512xi32, #tpu.memory_space<hbm>>
      %dma_wait3A_14 = tpu.memref_squeeze %dma_wait3A_13 : memref<1x512xi32, #tpu.memory_space<hbm>> -> memref<512xi32, #tpu.memory_space<hbm>>
      %dma_wait3A_15 = arith.constant 0 : i32
      %dma_wait3A_16 = tpu.memref_slice %arg3[%add3A, %dma_wait3A_15] : memref<32x512xi32, #tpu.memory_space<hbm>> -> memref<1x512xi32, #tpu.memory_space<hbm>>
      %dma_wait3A_17 = tpu.memref_squeeze %dma_wait3A_16 : memref<1x512xi32, #tpu.memory_space<hbm>> -> memref<512xi32, #tpu.memory_space<hbm>>
      tpu.wait_dma2 semaphore(%run_scoped3A : memref<!tpu.dma_semaphore, #tpu.memory_space<semaphore_mem>>) src(%dma_wait3A_17 : memref<512xi32, #tpu.memory_space<hbm>>) dst(%arg9 : memref<512xi32, #tpu.memory_space<vmem>>)
      tpu.yield
    }) : () -> ()
    "tpu.region"() ({
      %run_scoped3A = tpu.sem_alloc : memref<!tpu.dma_semaphore, #tpu.memory_space<semaphore_mem>>
      %dma_start3A = arith.constant 0 : i32
      %dma_start3A_8 = tpu.memref_slice %arg4[%add3A, %dma_start3A] : memref<32x512xi32, #tpu.memory_space<hbm>> -> memref<1x512xi32, #tpu.memory_space<hbm>>
      %dma_start3A_9 = tpu.memref_squeeze %dma_start3A_8 : memref<1x512xi32, #tpu.memory_space<hbm>> -> memref<512xi32, #tpu.memory_space<hbm>>
      %dma_start3A_10 = arith.constant 0 : i32
      %dma_start3A_11 = tpu.memref_slice %arg4[%add3A, %dma_start3A_10] : memref<32x512xi32, #tpu.memory_space<hbm>> -> memref<1x512xi32, #tpu.memory_space<hbm>>
      %dma_start3A_12 = tpu.memref_squeeze %dma_start3A_11 : memref<1x512xi32, #tpu.memory_space<hbm>> -> memref<512xi32, #tpu.memory_space<hbm>>
      tpu.enqueue_dma source(%dma_start3A_12 : memref<512xi32, #tpu.memory_space<hbm>>) target(%arg10 : memref<512xi32, #tpu.memory_space<vmem>>) target_semaphore(%run_scoped3A : memref<!tpu.dma_semaphore, #tpu.memory_space<semaphore_mem>>)
      %dma_wait3A = arith.constant 0 : i32
      %dma_wait3A_13 = tpu.memref_slice %arg4[%add3A, %dma_wait3A] : memref<32x512xi32, #tpu.memory_space<hbm>> -> memref<1x512xi32, #tpu.memory_space<hbm>>
      %dma_wait3A_14 = tpu.memref_squeeze %dma_wait3A_13 : memref<1x512xi32, #tpu.memory_space<hbm>> -> memref<512xi32, #tpu.memory_space<hbm>>
      %dma_wait3A_15 = arith.constant 0 : i32
      %dma_wait3A_16 = tpu.memref_slice %arg4[%add3A, %dma_wait3A_15] : memref<32x512xi32, #tpu.memory_space<hbm>> -> memref<1x512xi32, #tpu.memory_space<hbm>>
      %dma_wait3A_17 = tpu.memref_squeeze %dma_wait3A_16 : memref<1x512xi32, #tpu.memory_space<hbm>> -> memref<512xi32, #tpu.memory_space<hbm>>
      tpu.wait_dma2 semaphore(%run_scoped3A : memref<!tpu.dma_semaphore, #tpu.memory_space<semaphore_mem>>) src(%dma_wait3A_17 : memref<512xi32, #tpu.memory_space<hbm>>) dst(%arg10 : memref<512xi32, #tpu.memory_space<vmem>>)
      tpu.yield
    }) : () -> ()
    %iota3A = tpu.iota {dimensions = array<i32: 0>} : vector<16xi32>
    %scan3A = arith.constant 0 : i32
    %scan3A_1 = arith.constant 0 : i32
    %scan3A_2 = arith.constant 32 : i32
    %scan3A_3 = arith.addi %scan3A_1, %scan3A_2 : i32
    %scan3A_4 = arith.constant 1 : i32
    scf.for %scan3A_8 = %scan3A_1 to %scan3A_3 step %scan3A_4  : i32 {
      %mul3A_9 = arith.constant 16 : i32
      %mul3A_10 = arith.muli %scan3A_8, %mul3A_9 : i32
      %get3A = arith.index_cast %mul3A_10 : i32 to index
      %get3A_11 = tpu.vector_load %arg8[%get3A] {strides = array<i32>} : memref<512xi32, #tpu.memory_space<vmem>>, vector<16xi32>,
      %mul3A_12 = arith.constant 16 : i32
      %mul3A_13 = arith.muli %scan3A_8, %mul3A_12 : i32
      %get3A_14 = arith.index_cast %mul3A_13 : i32 to index
      %get3A_15 = tpu.vector_load %arg9[%get3A_14] {strides = array<i32>} : memref<512xi32, #tpu.memory_space<vmem>>, vector<16xi32>,
      %mul3A_16 = arith.constant 16 : i32
      %mul3A_17 = arith.muli %scan3A_8, %mul3A_16 : i32
      %get3A_18 = arith.index_cast %mul3A_17 : i32 to index
      %get3A_19 = tpu.vector_load %arg10[%get3A_18] {strides = array<i32>} : memref<512xi32, #tpu.memory_space<vmem>>, vector<16xi32>,
      %shift_right_logical3A = arith.constant 1 : i32
      %shift_right_logical3A_20 = vector.broadcast %shift_right_logical3A : i32 to vector<16xi32>
      %shift_right_logical3A_21 = arith.shrui %get3A_11, %shift_right_logical3A_20 : vector<16xi32>
      %dma_start3A = arith.constant 0 : i32
      %dma_start3A_22 = arith.constant 0 : i32
      %dma_start3A_23 = tpu.memref_slice %arg5[%dma_start3A, %dma_start3A_22] : memref<500000x128xf32, #tpu.memory_space<hbm>> -> memref<500000x128xf32, #tpu.memory_space<hbm>>
      tpu.enqueue_indirect_dma source(%dma_start3A_23 : memref<500000x128xf32, #tpu.memory_space<hbm>>) target(%arg11 : memref<16x128xf32, #tpu.memory_space<vmem>>) offsets(%shift_right_logical3A_21 : vector<16xi32>) semaphore(%arg16 : memref<!tpu.dma_semaphore, #tpu.memory_space<semaphore_mem>>)
      %shift_right_logical3A_24 = arith.constant 1 : i32
      %shift_right_logical3A_25 = vector.broadcast %shift_right_logical3A_24 : i32 to vector<16xi32>
      %shift_right_logical3A_26 = arith.shrui %get3A_15, %shift_right_logical3A_25 : vector<16xi32>
      %dma_start3A_27 = arith.constant 0 : i32
      %dma_start3A_28 = arith.constant 0 : i32
      %dma_start3A_29 = tpu.memref_slice %arg6[%dma_start3A_27, %dma_start3A_28] : memref<500000x128xf32, #tpu.memory_space<hbm>> -> memref<500000x128xf32, #tpu.memory_space<hbm>>
      tpu.enqueue_indirect_dma source(%dma_start3A_29 : memref<500000x128xf32, #tpu.memory_space<hbm>>) target(%arg12 : memref<16x128xf32, #tpu.memory_space<vmem>>) offsets(%shift_right_logical3A_26 : vector<16xi32>) semaphore(%arg16 : memref<!tpu.dma_semaphore, #tpu.memory_space<semaphore_mem>>)
      %shift_right_logical3A_30 = arith.constant 1 : i32
      %shift_right_logical3A_31 = vector.broadcast %shift_right_logical3A_30 : i32 to vector<16xi32>
      %shift_right_logical3A_32 = arith.shrui %get3A_19, %shift_right_logical3A_31 : vector<16xi32>
      %dma_start3A_33 = arith.constant 0 : i32
      %dma_start3A_34 = arith.constant 0 : i32
      %dma_start3A_35 = tpu.memref_slice %arg6[%dma_start3A_33, %dma_start3A_34] : memref<500000x128xf32, #tpu.memory_space<hbm>> -> memref<500000x128xf32, #tpu.memory_space<hbm>>
      tpu.enqueue_indirect_dma source(%dma_start3A_35 : memref<500000x128xf32, #tpu.memory_space<hbm>>) target(%arg13 : memref<16x128xf32, #tpu.memory_space<vmem>>) offsets(%shift_right_logical3A_32 : vector<16xi32>) semaphore(%arg16 : memref<!tpu.dma_semaphore, #tpu.memory_space<semaphore_mem>>)
      %and3A = arith.constant 1 : i32
      %and3A_36 = vector.broadcast %and3A : i32 to vector<16xi32>
      %and3A_37 = arith.andi %get3A_11, %and3A_36 : vector<16xi32>
      %mul3A_38 = arith.constant 64 : i32
      %mul3A_39 = vector.broadcast %mul3A_38 : i32 to vector<16xi32>
      %mul3A_40 = arith.muli %and3A_37, %mul3A_39 : vector<16xi32>
      %and3A_41 = arith.constant 1 : i32
      %and3A_42 = vector.broadcast %and3A_41 : i32 to vector<16xi32>
      %and3A_43 = arith.andi %get3A_15, %and3A_42 : vector<16xi32>
      %mul3A_44 = arith.constant 64 : i32
      %mul3A_45 = vector.broadcast %mul3A_44 : i32 to vector<16xi32>
      %mul3A_46 = arith.muli %and3A_43, %mul3A_45 : vector<16xi32>
      %and3A_47 = arith.constant 1 : i32
      %and3A_48 = vector.broadcast %and3A_47 : i32 to vector<16xi32>
      %and3A_49 = arith.andi %get3A_19, %and3A_48 : vector<16xi32>
      %mul3A_50 = arith.constant 64 : i32
      %mul3A_51 = vector.broadcast %mul3A_50 : i32 to vector<16xi32>
      %mul3A_52 = arith.muli %and3A_49, %mul3A_51 : vector<16xi32>
      %dma_wait3A = arith.constant 0 : i32
      %dma_wait3A_53 = arith.constant 0 : i32
      %dma_wait3A_54 = tpu.memref_slice %arg5[%dma_wait3A, %dma_wait3A_53] : memref<500000x128xf32, #tpu.memory_space<hbm>> -> memref<500000x128xf32, #tpu.memory_space<hbm>>
      tpu.wait_indirect_dma semaphore(%arg16 : memref<!tpu.dma_semaphore, #tpu.memory_space<semaphore_mem>>) src(%dma_wait3A_54 : memref<500000x128xf32, #tpu.memory_space<hbm>>) dst(%arg11 : memref<16x128xf32, #tpu.memory_space<vmem>>)
      %dma_wait3A_55 = arith.constant 0 : i32
      %dma_wait3A_56 = arith.constant 0 : i32
      %dma_wait3A_57 = tpu.memref_slice %arg6[%dma_wait3A_55, %dma_wait3A_56] : memref<500000x128xf32, #tpu.memory_space<hbm>> -> memref<500000x128xf32, #tpu.memory_space<hbm>>
      tpu.wait_indirect_dma semaphore(%arg16 : memref<!tpu.dma_semaphore, #tpu.memory_space<semaphore_mem>>) src(%dma_wait3A_57 : memref<500000x128xf32, #tpu.memory_space<hbm>>) dst(%arg12 : memref<16x128xf32, #tpu.memory_space<vmem>>)
      %dma_wait3A_58 = arith.constant 0 : i32
      %dma_wait3A_59 = arith.constant 0 : i32
      %dma_wait3A_60 = tpu.memref_slice %arg6[%dma_wait3A_58, %dma_wait3A_59] : memref<500000x128xf32, #tpu.memory_space<hbm>> -> memref<500000x128xf32, #tpu.memory_space<hbm>>
      tpu.wait_indirect_dma semaphore(%arg16 : memref<!tpu.dma_semaphore, #tpu.memory_space<semaphore_mem>>) src(%dma_wait3A_60 : memref<500000x128xf32, #tpu.memory_space<hbm>>) dst(%arg13 : memref<16x128xf32, #tpu.memory_space<vmem>>)
      %slice3A = vector.extract_strided_slice %mul3A_40 {offsets = [0], sizes = [1], strides = [1]} : vector<16xi32> to vector<1xi32>
      %squeeze3A = vector.extract %slice3A[0] : i32 from vector<1xi32>
      %slice3A_61 = vector.extract_strided_slice %mul3A_46 {offsets = [0], sizes = [1], strides = [1]} : vector<16xi32> to vector<1xi32>
      %squeeze3A_62 = vector.extract %slice3A_61[0] : i32 from vector<1xi32>
      %slice3A_63 = vector.extract_strided_slice %mul3A_52 {offsets = [0], sizes = [1], strides = [1]} : vector<16xi32> to vector<1xi32>
      %squeeze3A_64 = vector.extract %slice3A_63[0] : i32 from vector<1xi32>
      %broadcast_in_dim3A = arith.constant 0.000000e+00 : f32
      %broadcast_in_dim3A_65 = vector.broadcast %broadcast_in_dim3A : f32 to vector<16xf32>
      %add3A_66 = arith.constant 0 : i32
      %add3A_67 = arith.addi %squeeze3A, %add3A_66 : i32
      %get3A_68 = arith.constant 0 : i32
      %get3A_69 = arith.index_cast %get3A_68 : i32 to index
      %get3A_70 = arith.index_cast %add3A_67 : i32 to index
      %get3A_71 = tpu.vector_load %arg11[%get3A_69, %get3A_70] {strides = array<i32>} : memref<16x128xf32, #tpu.memory_space<vmem>>, vector<16xf32>,
      %add3A_72 = arith.constant 0 : i32
      %add3A_73 = arith.addi %squeeze3A_62, %add3A_72 : i32
      %get3A_74 = arith.constant 0 : i32
      %get3A_75 = arith.index_cast %get3A_74 : i32 to index
      %get3A_76 = arith.index_cast %add3A_73 : i32 to index
      %get3A_77 = tpu.vector_load %arg12[%get3A_75, %get3A_76] {strides = array<i32>} : memref<16x128xf32, #tpu.memory_space<vmem>>, vector<16xf32>,
      %add3A_78 = arith.constant 0 : i32
      %add3A_79 = arith.addi %squeeze3A_64, %add3A_78 : i32
      %get3A_80 = arith.constant 0 : i32
      %get3A_81 = arith.index_cast %get3A_80 : i32 to index
      %get3A_82 = arith.index_cast %add3A_79 : i32 to index
      %get3A_83 = tpu.vector_load %arg13[%get3A_81, %get3A_82] {strides = array<i32>} : memref<16x128xf32, #tpu.memory_space<vmem>>, vector<16xf32>,
      %sub3A = arith.subf %get3A_77, %get3A_83 : vector<16xf32>
      %mul3A_84 = arith.mulf %get3A_71, %sub3A : vector<16xf32>
      %add3A_85 = arith.addf %broadcast_in_dim3A_65, %mul3A_84 : vector<16xf32>
      %add3A_86 = arith.constant 16 : i32
      %add3A_87 = arith.addi %squeeze3A, %add3A_86 : i32
      %get3A_88 = arith.constant 0 : i32
      %get3A_89 = arith.index_cast %get3A_88 : i32 to index
      %get3A_90 = arith.index_cast %add3A_87 : i32 to index
      %get3A_91 = tpu.vector_load %arg11[%get3A_89, %get3A_90] {strides = array<i32>} : memref<16x128xf32, #tpu.memory_space<vmem>>, vector<16xf32>,
      %add3A_92 = arith.constant 16 : i32
      %add3A_93 = arith.addi %squeeze3A_62, %add3A_92 : i32
      %get3A_94 = arith.constant 0 : i32
      %get3A_95 = arith.index_cast %get3A_94 : i32 to index
      %get3A_96 = arith.index_cast %add3A_93 : i32 to index
      %get3A_97 = tpu.vector_load %arg12[%get3A_95, %get3A_96] {strides = array<i32>} : memref<16x128xf32, #tpu.memory_space<vmem>>, vector<16xf32>,
      %add3A_98 = arith.constant 16 : i32
      %add3A_99 = arith.addi %squeeze3A_64, %add3A_98 : i32
      %get3A_100 = arith.constant 0 : i32
      %get3A_101 = arith.index_cast %get3A_100 : i32 to index
      %get3A_102 = arith.index_cast %add3A_99 : i32 to index
      %get3A_103 = tpu.vector_load %arg13[%get3A_101, %get3A_102] {strides = array<i32>} : memref<16x128xf32, #tpu.memory_space<vmem>>, vector<16xf32>,
      %sub3A_104 = arith.subf %get3A_97, %get3A_103 : vector<16xf32>
      %mul3A_105 = arith.mulf %get3A_91, %sub3A_104 : vector<16xf32>
      %add3A_106 = arith.addf %add3A_85, %mul3A_105 : vector<16xf32>
      %add3A_107 = arith.constant 32 : i32
      %add3A_108 = arith.addi %squeeze3A, %add3A_107 : i32
      %get3A_109 = arith.constant 0 : i32
      %get3A_110 = arith.index_cast %get3A_109 : i32 to index
      %get3A_111 = arith.index_cast %add3A_108 : i32 to index
      %get3A_112 = tpu.vector_load %arg11[%get3A_110, %get3A_111] {strides = array<i32>} : memref<16x128xf32, #tpu.memory_space<vmem>>, vector<16xf32>,
      %add3A_113 = arith.constant 32 : i32
      %add3A_114 = arith.addi %squeeze3A_62, %add3A_113 : i32
      %get3A_115 = arith.constant 0 : i32
      %get3A_116 = arith.index_cast %get3A_115 : i32 to index
      %get3A_117 = arith.index_cast %add3A_114 : i32 to index
      %get3A_118 = tpu.vector_load %arg12[%get3A_116, %get3A_117] {strides = array<i32>} : memref<16x128xf32, #tpu.memory_space<vmem>>, vector<16xf32>,
      %add3A_119 = arith.constant 32 : i32
      %add3A_120 = arith.addi %squeeze3A_64, %add3A_119 : i32
      %get3A_121 = arith.constant 0 : i32
      %get3A_122 = arith.index_cast %get3A_121 : i32 to index
      %get3A_123 = arith.index_cast %add3A_120 : i32 to index
      %get3A_124 = tpu.vector_load %arg13[%get3A_122, %get3A_123] {strides = array<i32>} : memref<16x128xf32, #tpu.memory_space<vmem>>, vector<16xf32>,
      %sub3A_125 = arith.subf %get3A_118, %get3A_124 : vector<16xf32>
      %mul3A_126 = arith.mulf %get3A_112, %sub3A_125 : vector<16xf32>
      %add3A_127 = arith.addf %add3A_106, %mul3A_126 : vector<16xf32>
      %add3A_128 = arith.constant 48 : i32
      %add3A_129 = arith.addi %squeeze3A, %add3A_128 : i32
      %get3A_130 = arith.constant 0 : i32
      %get3A_131 = arith.index_cast %get3A_130 : i32 to index
      %get3A_132 = arith.index_cast %add3A_129 : i32 to index
      %get3A_133 = tpu.vector_load %arg11[%get3A_131, %get3A_132] {strides = array<i32>} : memref<16x128xf32, #tpu.memory_space<vmem>>, vector<16xf32>,
      %add3A_134 = arith.constant 48 : i32
      %add3A_135 = arith.addi %squeeze3A_62, %add3A_134 : i32
      %get3A_136 = arith.constant 0 : i32
      %get3A_137 = arith.index_cast %get3A_136 : i32 to index
      %get3A_138 = arith.index_cast %add3A_135 : i32 to index
      %get3A_139 = tpu.vector_load %arg12[%get3A_137, %get3A_138] {strides = array<i32>} : memref<16x128xf32, #tpu.memory_space<vmem>>, vector<16xf32>,
      %add3A_140 = arith.constant 48 : i32
      %add3A_141 = arith.addi %squeeze3A_64, %add3A_140 : i32
      %get3A_142 = arith.constant 0 : i32
      %get3A_143 = arith.index_cast %get3A_142 : i32 to index
      %get3A_144 = arith.index_cast %add3A_141 : i32 to index
      %get3A_145 = tpu.vector_load %arg13[%get3A_143, %get3A_144] {strides = array<i32>} : memref<16x128xf32, #tpu.memory_space<vmem>>, vector<16xf32>,
      %sub3A_146 = arith.subf %get3A_139, %get3A_145 : vector<16xf32>
      %mul3A_147 = arith.mulf %get3A_133, %sub3A_146 : vector<16xf32>
      %add3A_148 = arith.addf %add3A_127, %mul3A_147 : vector<16xf32>
      %broadcast_in_dim3A_149 = arith.constant 0 : i32
      %broadcast_in_dim3A_150 = vector.broadcast %broadcast_in_dim3A_149 : i32 to vector<16xi32>
      tpu.vector_store_idx %arg14[%iota3A, %broadcast_in_dim3A_150], %add3A_148 : memref<16x16xf32, #tpu.memory_space<vmem>>[vector<16xi32>, vector<16xi32>], vector<16xf32>,
      %slice3A_151 = vector.extract_strided_slice %mul3A_40 {offsets = [1], sizes = [1], strides = [1]} : vector<16xi32> to vector<1xi32>
      %squeeze3A_152 = vector.extract %slice3A_151[0] : i32 from vector<1xi32>
      %slice3A_153 = vector.extract_strided_slice %mul3A_46 {offsets = [1], sizes = [1], strides = [1]} : vector<16xi32> to vector<1xi32>
      %squeeze3A_154 = vector.extract %slice3A_153[0] : i32 from vector<1xi32>
      %slice3A_155 = vector.extract_strided_slice %mul3A_52 {offsets = [1], sizes = [1], strides = [1]} : vector<16xi32> to vector<1xi32>
      %squeeze3A_156 = vector.extract %slice3A_155[0] : i32 from vector<1xi32>
      %broadcast_in_dim3A_157 = arith.constant 0.000000e+00 : f32
      %broadcast_in_dim3A_158 = vector.broadcast %broadcast_in_dim3A_157 : f32 to vector<16xf32>
      %add3A_159 = arith.constant 0 : i32
      %add3A_160 = arith.addi %squeeze3A_152, %add3A_159 : i32
      %get3A_161 = arith.constant 1 : i32
      %get3A_162 = arith.index_cast %get3A_161 : i32 to index
      %get3A_163 = arith.index_cast %add3A_160 : i32 to index
      %get3A_164 = tpu.vector_load %arg11[%get3A_162, %get3A_163] {strides = array<i32>} : memref<16x128xf32, #tpu.memory_space<vmem>>, vector<16xf32>,
      %add3A_165 = arith.constant 0 : i32
      %add3A_166 = arith.addi %squeeze3A_154, %add3A_165 : i32
      %get3A_167 = arith.constant 1 : i32
      %get3A_168 = arith.index_cast %get3A_167 : i32 to index
      %get3A_169 = arith.index_cast %add3A_166 : i32 to index
      %get3A_170 = tpu.vector_load %arg12[%get3A_168, %get3A_169] {strides = array<i32>} : memref<16x128xf32, #tpu.memory_space<vmem>>, vector<16xf32>,
      %add3A_171 = arith.constant 0 : i32
      %add3A_172 = arith.addi %squeeze3A_156, %add3A_171 : i32
      %get3A_173 = arith.constant 1 : i32
      %get3A_174 = arith.index_cast %get3A_173 : i32 to index
      %get3A_175 = arith.index_cast %add3A_172 : i32 to index
      %get3A_176 = tpu.vector_load %arg13[%get3A_174, %get3A_175] {strides = array<i32>} : memref<16x128xf32, #tpu.memory_space<vmem>>, vector<16xf32>,
      %sub3A_177 = arith.subf %get3A_170, %get3A_176 : vector<16xf32>
      %mul3A_178 = arith.mulf %get3A_164, %sub3A_177 : vector<16xf32>
      %add3A_179 = arith.addf %broadcast_in_dim3A_158, %mul3A_178 : vector<16xf32>
      %add3A_180 = arith.constant 16 : i32
      %add3A_181 = arith.addi %squeeze3A_152, %add3A_180 : i32
      %get3A_182 = arith.constant 1 : i32
      %get3A_183 = arith.index_cast %get3A_182 : i32 to index
      %get3A_184 = arith.index_cast %add3A_181 : i32 to index
      %get3A_185 = tpu.vector_load %arg11[%get3A_183, %get3A_184] {strides = array<i32>} : memref<16x128xf32, #tpu.memory_space<vmem>>, vector<16xf32>,
      %add3A_186 = arith.constant 16 : i32
      %add3A_187 = arith.addi %squeeze3A_154, %add3A_186 : i32
      %get3A_188 = arith.constant 1 : i32
      %get3A_189 = arith.index_cast %get3A_188 : i32 to index
      %get3A_190 = arith.index_cast %add3A_187 : i32 to index
      %get3A_191 = tpu.vector_load %arg12[%get3A_189, %get3A_190] {strides = array<i32>} : memref<16x128xf32, #tpu.memory_space<vmem>>, vector<16xf32>,
      %add3A_192 = arith.constant 16 : i32
      %add3A_193 = arith.addi %squeeze3A_156, %add3A_192 : i32
      %get3A_194 = arith.constant 1 : i32
      %get3A_195 = arith.index_cast %get3A_194 : i32 to index
      %get3A_196 = arith.index_cast %add3A_193 : i32 to index
      %get3A_197 = tpu.vector_load %arg13[%get3A_195, %get3A_196] {strides = array<i32>} : memref<16x128xf32, #tpu.memory_space<vmem>>, vector<16xf32>,
      %sub3A_198 = arith.subf %get3A_191, %get3A_197 : vector<16xf32>
      %mul3A_199 = arith.mulf %get3A_185, %sub3A_198 : vector<16xf32>
      %add3A_200 = arith.addf %add3A_179, %mul3A_199 : vector<16xf32>
      %add3A_201 = arith.constant 32 : i32
      %add3A_202 = arith.addi %squeeze3A_152, %add3A_201 : i32
      %get3A_203 = arith.constant 1 : i32
      %get3A_204 = arith.index_cast %get3A_203 : i32 to index
      %get3A_205 = arith.index_cast %add3A_202 : i32 to index
      %get3A_206 = tpu.vector_load %arg11[%get3A_204, %get3A_205] {strides = array<i32>} : memref<16x128xf32, #tpu.memory_space<vmem>>, vector<16xf32>,
      %add3A_207 = arith.constant 32 : i32
      %add3A_208 = arith.addi %squeeze3A_154, %add3A_207 : i32
      %get3A_209 = arith.constant 1 : i32
      %get3A_210 = arith.index_cast %get3A_209 : i32 to index
      %get3A_211 = arith.index_cast %add3A_208 : i32 to index
      %get3A_212 = tpu.vector_load %arg12[%get3A_210, %get3A_211] {strides = array<i32>} : memref<16x128xf32, #tpu.memory_space<vmem>>, vector<16xf32>,
      %add3A_213 = arith.constant 32 : i32
      %add3A_214 = arith.addi %squeeze3A_156, %add3A_213 : i32
      %get3A_215 = arith.constant 1 : i32
      %get3A_216 = arith.index_cast %get3A_215 : i32 to index
      %get3A_217 = arith.index_cast %add3A_214 : i32 to index
      %get3A_218 = tpu.vector_load %arg13[%get3A_216, %get3A_217] {strides = array<i32>} : memref<16x128xf32, #tpu.memory_space<vmem>>, vector<16xf32>,
      %sub3A_219 = arith.subf %get3A_212, %get3A_218 : vector<16xf32>
      %mul3A_220 = arith.mulf %get3A_206, %sub3A_219 : vector<16xf32>
      %add3A_221 = arith.addf %add3A_200, %mul3A_220 : vector<16xf32>
      %add3A_222 = arith.constant 48 : i32
      %add3A_223 = arith.addi %squeeze3A_152, %add3A_222 : i32
      %get3A_224 = arith.constant 1 : i32
      %get3A_225 = arith.index_cast %get3A_224 : i32 to index
      %get3A_226 = arith.index_cast %add3A_223 : i32 to index
      %get3A_227 = tpu.vector_load %arg11[%get3A_225, %get3A_226] {strides = array<i32>} : memref<16x128xf32, #tpu.memory_space<vmem>>, vector<16xf32>,
      %add3A_228 = arith.constant 48 : i32
      %add3A_229 = arith.addi %squeeze3A_154, %add3A_228 : i32
      %get3A_230 = arith.constant 1 : i32
      %get3A_231 = arith.index_cast %get3A_230 : i32 to index
      %get3A_232 = arith.index_cast %add3A_229 : i32 to index
      %get3A_233 = tpu.vector_load %arg12[%get3A_231, %get3A_232] {strides = array<i32>} : memref<16x128xf32, #tpu.memory_space<vmem>>, vector<16xf32>,
      %add3A_234 = arith.constant 48 : i32
      %add3A_235 = arith.addi %squeeze3A_156, %add3A_234 : i32
      %get3A_236 = arith.constant 1 : i32
      %get3A_237 = arith.index_cast %get3A_236 : i32 to index
      %get3A_238 = arith.index_cast %add3A_235 : i32 to index
      %get3A_239 = tpu.vector_load %arg13[%get3A_237, %get3A_238] {strides = array<i32>} : memref<16x128xf32, #tpu.memory_space<vmem>>, vector<16xf32>,
      %sub3A_240 = arith.subf %get3A_233, %get3A_239 : vector<16xf32>
      %mul3A_241 = arith.mulf %get3A_227, %sub3A_240 : vector<16xf32>
      %add3A_242 = arith.addf %add3A_221, %mul3A_241 : vector<16xf32>
      %broadcast_in_dim3A_243 = arith.constant 1 : i32
      %broadcast_in_dim3A_244 = vector.broadcast %broadcast_in_dim3A_243 : i32 to vector<16xi32>
      tpu.vector_store_idx %arg14[%iota3A, %broadcast_in_dim3A_244], %add3A_242 : memref<16x16xf32, #tpu.memory_space<vmem>>[vector<16xi32>, vector<16xi32>], vector<16xf32>,
      %slice3A_245 = vector.extract_strided_slice %mul3A_40 {offsets = [2], sizes = [1], strides = [1]} : vector<16xi32> to vector<1xi32>
      %squeeze3A_246 = vector.extract %slice3A_245[0] : i32 from vector<1xi32>
      %slice3A_247 = vector.extract_strided_slice %mul3A_46 {offsets = [2], sizes = [1], strides = [1]} : vector<16xi32> to vector<1xi32>
      %squeeze3A_248 = vector.extract %slice3A_247[0] : i32 from vector<1xi32>
      %slice3A_249 = vector.extract_strided_slice %mul3A_52 {offsets = [2], sizes = [1], strides = [1]} : vector<16xi32> to vector<1xi32>
      %squeeze3A_250 = vector.extract %slice3A_249[0] : i32 from vector<1xi32>
      %broadcast_in_dim3A_251 = arith.constant 0.000000e+00 : f32
      %broadcast_in_dim3A_252 = vector.broadcast %broadcast_in_dim3A_251 : f32 to vector<16xf32>
      %add3A_253 = arith.constant 0 : i32
      %add3A_254 = arith.addi %squeeze3A_246, %add3A_253 : i32
      %get3A_255 = arith.constant 2 : i32
      %get3A_256 = arith.index_cast %get3A_255 : i32 to index
      %get3A_257 = arith.index_cast %add3A_254 : i32 to index
      %get3A_258 = tpu.vector_load %arg11[%get3A_256, %get3A_257] {strides = array<i32>} : memref<16x128xf32, #tpu.memory_space<vmem>>, vector<16xf32>,
      %add3A_259 = arith.constant 0 : i32
      %add3A_260 = arith.addi %squeeze3A_248, %add3A_259 : i32
      %get3A_261 = arith.constant 2 : i32
      %get3A_262 = arith.index_cast %get3A_261 : i32 to index
      %get3A_263 = arith.index_cast %add3A_260 : i32 to index
      %get3A_264 = tpu.vector_load %arg12[%get3A_262, %get3A_263] {strides = array<i32>} : memref<16x128xf32, #tpu.memory_space<vmem>>, vector<16xf32>,
      %add3A_265 = arith.constant 0 : i32
      %add3A_266 = arith.addi %squeeze3A_250, %add3A_265 : i32
      %get3A_267 = arith.constant 2 : i32
      %get3A_268 = arith.index_cast %get3A_267 : i32 to index
      %get3A_269 = arith.index_cast %add3A_266 : i32 to index
      %get3A_270 = tpu.vector_load %arg13[%get3A_268, %get3A_269] {strides = array<i32>} : memref<16x128xf32, #tpu.memory_space<vmem>>, vector<16xf32>,
      %sub3A_271 = arith.subf %get3A_264, %get3A_270 : vector<16xf32>
      %mul3A_272 = arith.mulf %get3A_258, %sub3A_271 : vector<16xf32>
      %add3A_273 = arith.addf %broadcast_in_dim3A_252, %mul3A_272 : vector<16xf32>
      %add3A_274 = arith.constant 16 : i32
      %add3A_275 = arith.addi %squeeze3A_246, %add3A_274 : i32
      %get3A_276 = arith.constant 2 : i32
      %get3A_277 = arith.index_cast %get3A_276 : i32 to index
      %get3A_278 = arith.index_cast %add3A_275 : i32 to index
      %get3A_279 = tpu.vector_load %arg11[%get3A_277, %get3A_278] {strides = array<i32>} : memref<16x128xf32, #tpu.memory_space<vmem>>, vector<16xf32>,
      %add3A_280 = arith.constant 16 : i32
      %add3A_281 = arith.addi %squeeze3A_248, %add3A_280 : i32
      %get3A_282 = arith.constant 2 : i32
      %get3A_283 = arith.index_cast %get3A_282 : i32 to index
      %get3A_284 = arith.index_cast %add3A_281 : i32 to index
      %get3A_285 = tpu.vector_load %arg12[%get3A_283, %get3A_284] {strides = array<i32>} : memref<16x128xf32, #tpu.memory_space<vmem>>, vector<16xf32>,
      %add3A_286 = arith.constant 16 : i32
      %add3A_287 = arith.addi %squeeze3A_250, %add3A_286 : i32
      %get3A_288 = arith.constant 2 : i32
      %get3A_289 = arith.index_cast %get3A_288 : i32 to index
      %get3A_290 = arith.index_cast %add3A_287 : i32 to index
      %get3A_291 = tpu.vector_load %arg13[%get3A_289, %get3A_290] {strides = array<i32>} : memref<16x128xf32, #tpu.memory_space<vmem>>, vector<16xf32>,
      %sub3A_292 = arith.subf %get3A_285, %get3A_291 : vector<16xf32>
      %mul3A_293 = arith.mulf %get3A_279, %sub3A_292 : vector<16xf32>
      %add3A_294 = arith.addf %add3A_273, %mul3A_293 : vector<16xf32>
      %add3A_295 = arith.constant 32 : i32
      %add3A_296 = arith.addi %squeeze3A_246, %add3A_295 : i32
      %get3A_297 = arith.constant 2 : i32
      %get3A_298 = arith.index_cast %get3A_297 : i32 to index
      %get3A_299 = arith.index_cast %add3A_296 : i32 to index
      %get3A_300 = tpu.vector_load %arg11[%get3A_298, %get3A_299] {strides = array<i32>} : memref<16x128xf32, #tpu.memory_space<vmem>>, vector<16xf32>,
      %add3A_301 = arith.constant 32 : i32
      %add3A_302 = arith.addi %squeeze3A_248, %add3A_301 : i32
      %get3A_303 = arith.constant 2 : i32
      %get3A_304 = arith.index_cast %get3A_303 : i32 to index
      %get3A_305 = arith.index_cast %add3A_302 : i32 to index
      %get3A_306 = tpu.vector_load %arg12[%get3A_304, %get3A_305] {strides = array<i32>} : memref<16x128xf32, #tpu.memory_space<vmem>>, vector<16xf32>,
      %add3A_307 = arith.constant 32 : i32
      %add3A_308 = arith.addi %squeeze3A_250, %add3A_307 : i32
      %get3A_309 = arith.constant 2 : i32
      %get3A_310 = arith.index_cast %get3A_309 : i32 to index
      %get3A_311 = arith.index_cast %add3A_308 : i32 to index
      %get3A_312 = tpu.vector_load %arg13[%get3A_310, %get3A_311] {strides = array<i32>} : memref<16x128xf32, #tpu.memory_space<vmem>>, vector<16xf32>,
      %sub3A_313 = arith.subf %get3A_306, %get3A_312 : vector<16xf32>
      %mul3A_314 = arith.mulf %get3A_300, %sub3A_313 : vector<16xf32>
      %add3A_315 = arith.addf %add3A_294, %mul3A_314 : vector<16xf32>
      %add3A_316 = arith.constant 48 : i32
      %add3A_317 = arith.addi %squeeze3A_246, %add3A_316 : i32
      %get3A_318 = arith.constant 2 : i32
      %get3A_319 = arith.index_cast %get3A_318 : i32 to index
      %get3A_320 = arith.index_cast %add3A_317 : i32 to index
      %get3A_321 = tpu.vector_load %arg11[%get3A_319, %get3A_320] {strides = array<i32>} : memref<16x128xf32, #tpu.memory_space<vmem>>, vector<16xf32>,
      %add3A_322 = arith.constant 48 : i32
      %add3A_323 = arith.addi %squeeze3A_248, %add3A_322 : i32
      %get3A_324 = arith.constant 2 : i32
      %get3A_325 = arith.index_cast %get3A_324 : i32 to index
      %get3A_326 = arith.index_cast %add3A_323 : i32 to index
      %get3A_327 = tpu.vector_load %arg12[%get3A_325, %get3A_326] {strides = array<i32>} : memref<16x128xf32, #tpu.memory_space<vmem>>, vector<16xf32>,
      %add3A_328 = arith.constant 48 : i32
      %add3A_329 = arith.addi %squeeze3A_250, %add3A_328 : i32
      %get3A_330 = arith.constant 2 : i32
      %get3A_331 = arith.index_cast %get3A_330 : i32 to index
      %get3A_332 = arith.index_cast %add3A_329 : i32 to index
      %get3A_333 = tpu.vector_load %arg13[%get3A_331, %get3A_332] {strides = array<i32>} : memref<16x128xf32, #tpu.memory_space<vmem>>, vector<16xf32>,
      %sub3A_334 = arith.subf %get3A_327, %get3A_333 : vector<16xf32>
      %mul3A_335 = arith.mulf %get3A_321, %sub3A_334 : vector<16xf32>
      %add3A_336 = arith.addf %add3A_315, %mul3A_335 : vector<16xf32>
      %broadcast_in_dim3A_337 = arith.constant 2 : i32
      %broadcast_in_dim3A_338 = vector.broadcast %broadcast_in_dim3A_337 : i32 to vector<16xi32>
      tpu.vector_store_idx %arg14[%iota3A, %broadcast_in_dim3A_338], %add3A_336 : memref<16x16xf32, #tpu.memory_space<vmem>>[vector<16xi32>, vector<16xi32>], vector<16xf32>,
      %slice3A_339 = vector.extract_strided_slice %mul3A_40 {offsets = [3], sizes = [1], strides = [1]} : vector<16xi32> to vector<1xi32>
      %squeeze3A_340 = vector.extract %slice3A_339[0] : i32 from vector<1xi32>
      %slice3A_341 = vector.extract_strided_slice %mul3A_46 {offsets = [3], sizes = [1], strides = [1]} : vector<16xi32> to vector<1xi32>
      %squeeze3A_342 = vector.extract %slice3A_341[0] : i32 from vector<1xi32>
      %slice3A_343 = vector.extract_strided_slice %mul3A_52 {offsets = [3], sizes = [1], strides = [1]} : vector<16xi32> to vector<1xi32>
      %squeeze3A_344 = vector.extract %slice3A_343[0] : i32 from vector<1xi32>
      %broadcast_in_dim3A_345 = arith.constant 0.000000e+00 : f32
      %broadcast_in_dim3A_346 = vector.broadcast %broadcast_in_dim3A_345 : f32 to vector<16xf32>
      %add3A_347 = arith.constant 0 : i32
      %add3A_348 = arith.addi %squeeze3A_340, %add3A_347 : i32
      %get3A_349 = arith.constant 3 : i32
      %get3A_350 = arith.index_cast %get3A_349 : i32 to index
      %get3A_351 = arith.index_cast %add3A_348 : i32 to index
      %get3A_352 = tpu.vector_load %arg11[%get3A_350, %get3A_351] {strides = array<i32>} : memref<16x128xf32, #tpu.memory_space<vmem>>, vector<16xf32>,
      %add3A_353 = arith.constant 0 : i32
      %add3A_354 = arith.addi %squeeze3A_342, %add3A_353 : i32
      %get3A_355 = arith.constant 3 : i32
      %get3A_356 = arith.index_cast %get3A_355 : i32 to index
      %get3A_357 = arith.index_cast %add3A_354 : i32 to index
      %get3A_358 = tpu.vector_load %arg12[%get3A_356, %get3A_357] {strides = array<i32>} : memref<16x128xf32, #tpu.memory_space<vmem>>, vector<16xf32>,
      %add3A_359 = arith.constant 0 : i32
      %add3A_360 = arith.addi %squeeze3A_344, %add3A_359 : i32
      %get3A_361 = arith.constant 3 : i32
      %get3A_362 = arith.index_cast %get3A_361 : i32 to index
      %get3A_363 = arith.index_cast %add3A_360 : i32 to index
      %get3A_364 = tpu.vector_load %arg13[%get3A_362, %get3A_363] {strides = array<i32>} : memref<16x128xf32, #tpu.memory_space<vmem>>, vector<16xf32>,
      %sub3A_365 = arith.subf %get3A_358, %get3A_364 : vector<16xf32>
      %mul3A_366 = arith.mulf %get3A_352, %sub3A_365 : vector<16xf32>
      %add3A_367 = arith.addf %broadcast_in_dim3A_346, %mul3A_366 : vector<16xf32>
      %add3A_368 = arith.constant 16 : i32
      %add3A_369 = arith.addi %squeeze3A_340, %add3A_368 : i32
      %get3A_370 = arith.constant 3 : i32
      %get3A_371 = arith.index_cast %get3A_370 : i32 to index
      %get3A_372 = arith.index_cast %add3A_369 : i32 to index
      %get3A_373 = tpu.vector_load %arg11[%get3A_371, %get3A_372] {strides = array<i32>} : memref<16x128xf32, #tpu.memory_space<vmem>>, vector<16xf32>,
      %add3A_374 = arith.constant 16 : i32
      %add3A_375 = arith.addi %squeeze3A_342, %add3A_374 : i32
      %get3A_376 = arith.constant 3 : i32
      %get3A_377 = arith.index_cast %get3A_376 : i32 to index
      %get3A_378 = arith.index_cast %add3A_375 : i32 to index
      %get3A_379 = tpu.vector_load %arg12[%get3A_377, %get3A_378] {strides = array<i32>} : memref<16x128xf32, #tpu.memory_space<vmem>>, vector<16xf32>,
      %add3A_380 = arith.constant 16 : i32
      %add3A_381 = arith.addi %squeeze3A_344, %add3A_380 : i32
      %get3A_382 = arith.constant 3 : i32
      %get3A_383 = arith.index_cast %get3A_382 : i32 to index
      %get3A_384 = arith.index_cast %add3A_381 : i32 to index
      %get3A_385 = tpu.vector_load %arg13[%get3A_383, %get3A_384] {strides = array<i32>} : memref<16x128xf32, #tpu.memory_space<vmem>>, vector<16xf32>,
      %sub3A_386 = arith.subf %get3A_379, %get3A_385 : vector<16xf32>
      %mul3A_387 = arith.mulf %get3A_373, %sub3A_386 : vector<16xf32>
      %add3A_388 = arith.addf %add3A_367, %mul3A_387 : vector<16xf32>
      %add3A_389 = arith.constant 32 : i32
      %add3A_390 = arith.addi %squeeze3A_340, %add3A_389 : i32
      %get3A_391 = arith.constant 3 : i32
      %get3A_392 = arith.index_cast %get3A_391 : i32 to index
      %get3A_393 = arith.index_cast %add3A_390 : i32 to index
      %get3A_394 = tpu.vector_load %arg11[%get3A_392, %get3A_393] {strides = array<i32>} : memref<16x128xf32, #tpu.memory_space<vmem>>, vector<16xf32>,
      %add3A_395 = arith.constant 32 : i32
      %add3A_396 = arith.addi %squeeze3A_342, %add3A_395 : i32
      %get3A_397 = arith.constant 3 : i32
      %get3A_398 = arith.index_cast %get3A_397 : i32 to index
      %get3A_399 = arith.index_cast %add3A_396 : i32 to index
      %get3A_400 = tpu.vector_load %arg12[%get3A_398, %get3A_399] {strides = array<i32>} : memref<16x128xf32, #tpu.memory_space<vmem>>, vector<16xf32>,
      %add3A_401 = arith.constant 32 : i32
      %add3A_402 = arith.addi %squeeze3A_344, %add3A_401 : i32
      %get3A_403 = arith.constant 3 : i32
      %get3A_404 = arith.index_cast %get3A_403 : i32 to index
      %get3A_405 = arith.index_cast %add3A_402 : i32 to index
      %get3A_406 = tpu.vector_load %arg13[%get3A_404, %get3A_405] {strides = array<i32>} : memref<16x128xf32, #tpu.memory_space<vmem>>, vector<16xf32>,
      %sub3A_407 = arith.subf %get3A_400, %get3A_406 : vector<16xf32>
      %mul3A_408 = arith.mulf %get3A_394, %sub3A_407 : vector<16xf32>
      %add3A_409 = arith.addf %add3A_388, %mul3A_408 : vector<16xf32>
      %add3A_410 = arith.constant 48 : i32
      %add3A_411 = arith.addi %squeeze3A_340, %add3A_410 : i32
      %get3A_412 = arith.constant 3 : i32
      %get3A_413 = arith.index_cast %get3A_412 : i32 to index
      %get3A_414 = arith.index_cast %add3A_411 : i32 to index
      %get3A_415 = tpu.vector_load %arg11[%get3A_413, %get3A_414] {strides = array<i32>} : memref<16x128xf32, #tpu.memory_space<vmem>>, vector<16xf32>,
      %add3A_416 = arith.constant 48 : i32
      %add3A_417 = arith.addi %squeeze3A_342, %add3A_416 : i32
      %get3A_418 = arith.constant 3 : i32
      %get3A_419 = arith.index_cast %get3A_418 : i32 to index
      %get3A_420 = arith.index_cast %add3A_417 : i32 to index
      %get3A_421 = tpu.vector_load %arg12[%get3A_419, %get3A_420] {strides = array<i32>} : memref<16x128xf32, #tpu.memory_space<vmem>>, vector<16xf32>,
      %add3A_422 = arith.constant 48 : i32
      %add3A_423 = arith.addi %squeeze3A_344, %add3A_422 : i32
      %get3A_424 = arith.constant 3 : i32
      %get3A_425 = arith.index_cast %get3A_424 : i32 to index
      %get3A_426 = arith.index_cast %add3A_423 : i32 to index
      %get3A_427 = tpu.vector_load %arg13[%get3A_425, %get3A_426] {strides = array<i32>} : memref<16x128xf32, #tpu.memory_space<vmem>>, vector<16xf32>,
      %sub3A_428 = arith.subf %get3A_421, %get3A_427 : vector<16xf32>
      %mul3A_429 = arith.mulf %get3A_415, %sub3A_428 : vector<16xf32>
      %add3A_430 = arith.addf %add3A_409, %mul3A_429 : vector<16xf32>
      %broadcast_in_dim3A_431 = arith.constant 3 : i32
      %broadcast_in_dim3A_432 = vector.broadcast %broadcast_in_dim3A_431 : i32 to vector<16xi32>
      tpu.vector_store_idx %arg14[%iota3A, %broadcast_in_dim3A_432], %add3A_430 : memref<16x16xf32, #tpu.memory_space<vmem>>[vector<16xi32>, vector<16xi32>], vector<16xf32>,
      %slice3A_433 = vector.extract_strided_slice %mul3A_40 {offsets = [4], sizes = [1], strides = [1]} : vector<16xi32> to vector<1xi32>
      %squeeze3A_434 = vector.extract %slice3A_433[0] : i32 from vector<1xi32>
      %slice3A_435 = vector.extract_strided_slice %mul3A_46 {offsets = [4], sizes = [1], strides = [1]} : vector<16xi32> to vector<1xi32>
      %squeeze3A_436 = vector.extract %slice3A_435[0] : i32 from vector<1xi32>
      %slice3A_437 = vector.extract_strided_slice %mul3A_52 {offsets = [4], sizes = [1], strides = [1]} : vector<16xi32> to vector<1xi32>
      %squeeze3A_438 = vector.extract %slice3A_437[0] : i32 from vector<1xi32>
      %broadcast_in_dim3A_439 = arith.constant 0.000000e+00 : f32
      %broadcast_in_dim3A_440 = vector.broadcast %broadcast_in_dim3A_439 : f32 to vector<16xf32>
      %add3A_441 = arith.constant 0 : i32
      %add3A_442 = arith.addi %squeeze3A_434, %add3A_441 : i32
      %get3A_443 = arith.constant 4 : i32
      %get3A_444 = arith.index_cast %get3A_443 : i32 to index
      %get3A_445 = arith.index_cast %add3A_442 : i32 to index
      %get3A_446 = tpu.vector_load %arg11[%get3A_444, %get3A_445] {strides = array<i32>} : memref<16x128xf32, #tpu.memory_space<vmem>>, vector<16xf32>,
      %add3A_447 = arith.constant 0 : i32
      %add3A_448 = arith.addi %squeeze3A_436, %add3A_447 : i32
      %get3A_449 = arith.constant 4 : i32
      %get3A_450 = arith.index_cast %get3A_449 : i32 to index
      %get3A_451 = arith.index_cast %add3A_448 : i32 to index
      %get3A_452 = tpu.vector_load %arg12[%get3A_450, %get3A_451] {strides = array<i32>} : memref<16x128xf32, #tpu.memory_space<vmem>>, vector<16xf32>,
      %add3A_453 = arith.constant 0 : i32
      %add3A_454 = arith.addi %squeeze3A_438, %add3A_453 : i32
      %get3A_455 = arith.constant 4 : i32
      %get3A_456 = arith.index_cast %get3A_455 : i32 to index
      %get3A_457 = arith.index_cast %add3A_454 : i32 to index
      %get3A_458 = tpu.vector_load %arg13[%get3A_456, %get3A_457] {strides = array<i32>} : memref<16x128xf32, #tpu.memory_space<vmem>>, vector<16xf32>,
      %sub3A_459 = arith.subf %get3A_452, %get3A_458 : vector<16xf32>
      %mul3A_460 = arith.mulf %get3A_446, %sub3A_459 : vector<16xf32>
      %add3A_461 = arith.addf %broadcast_in_dim3A_440, %mul3A_460 : vector<16xf32>
      %add3A_462 = arith.constant 16 : i32
      %add3A_463 = arith.addi %squeeze3A_434, %add3A_462 : i32
      %get3A_464 = arith.constant 4 : i32
      %get3A_465 = arith.index_cast %get3A_464 : i32 to index
      %get3A_466 = arith.index_cast %add3A_463 : i32 to index
      %get3A_467 = tpu.vector_load %arg11[%get3A_465, %get3A_466] {strides = array<i32>} : memref<16x128xf32, #tpu.memory_space<vmem>>, vector<16xf32>,
      %add3A_468 = arith.constant 16 : i32
      %add3A_469 = arith.addi %squeeze3A_436, %add3A_468 : i32
      %get3A_470 = arith.constant 4 : i32
      %get3A_471 = arith.index_cast %get3A_470 : i32 to index
      %get3A_472 = arith.index_cast %add3A_469 : i32 to index
      %get3A_473 = tpu.vector_load %arg12[%get3A_471, %get3A_472] {strides = array<i32>} : memref<16x128xf32, #tpu.memory_space<vmem>>, vector<16xf32>,
      %add3A_474 = arith.constant 16 : i32
      %add3A_475 = arith.addi %squeeze3A_438, %add3A_474 : i32
      %get3A_476 = arith.constant 4 : i32
      %get3A_477 = arith.index_cast %get3A_476 : i32 to index
      %get3A_478 = arith.index_cast %add3A_475 : i32 to index
      %get3A_479 = tpu.vector_load %arg13[%get3A_477, %get3A_478] {strides = array<i32>} : memref<16x128xf32, #tpu.memory_space<vmem>>, vector<16xf32>,
      %sub3A_480 = arith.subf %get3A_473, %get3A_479 : vector<16xf32>
      %mul3A_481 = arith.mulf %get3A_467, %sub3A_480 : vector<16xf32>
      %add3A_482 = arith.addf %add3A_461, %mul3A_481 : vector<16xf32>
      %add3A_483 = arith.constant 32 : i32
      %add3A_484 = arith.addi %squeeze3A_434, %add3A_483 : i32
      %get3A_485 = arith.constant 4 : i32
      %get3A_486 = arith.index_cast %get3A_485 : i32 to index
      %get3A_487 = arith.index_cast %add3A_484 : i32 to index
      %get3A_488 = tpu.vector_load %arg11[%get3A_486, %get3A_487] {strides = array<i32>} : memref<16x128xf32, #tpu.memory_space<vmem>>, vector<16xf32>,
      %add3A_489 = arith.constant 32 : i32
      %add3A_490 = arith.addi %squeeze3A_436, %add3A_489 : i32
      %get3A_491 = arith.constant 4 : i32
      %get3A_492 = arith.index_cast %get3A_491 : i32 to index
      %get3A_493 = arith.index_cast %add3A_490 : i32 to index
      %get3A_494 = tpu.vector_load %arg12[%get3A_492, %get3A_493] {strides = array<i32>} : memref<16x128xf32, #tpu.memory_space<vmem>>, vector<16xf32>,
      %add3A_495 = arith.constant 32 : i32
      %add3A_496 = arith.addi %squeeze3A_438, %add3A_495 : i32
      %get3A_497 = arith.constant 4 : i32
      %get3A_498 = arith.index_cast %get3A_497 : i32 to index
      %get3A_499 = arith.index_cast %add3A_496 : i32 to index
      %get3A_500 = tpu.vector_load %arg13[%get3A_498, %get3A_499] {strides = array<i32>} : memref<16x128xf32, #tpu.memory_space<vmem>>, vector<16xf32>,
      %sub3A_501 = arith.subf %get3A_494, %get3A_500 : vector<16xf32>
      %mul3A_502 = arith.mulf %get3A_488, %sub3A_501 : vector<16xf32>
      %add3A_503 = arith.addf %add3A_482, %mul3A_502 : vector<16xf32>
      %add3A_504 = arith.constant 48 : i32
      %add3A_505 = arith.addi %squeeze3A_434, %add3A_504 : i32
      %get3A_506 = arith.constant 4 : i32
      %get3A_507 = arith.index_cast %get3A_506 : i32 to index
      %get3A_508 = arith.index_cast %add3A_505 : i32 to index
      %get3A_509 = tpu.vector_load %arg11[%get3A_507, %get3A_508] {strides = array<i32>} : memref<16x128xf32, #tpu.memory_space<vmem>>, vector<16xf32>,
      %add3A_510 = arith.constant 48 : i32
      %add3A_511 = arith.addi %squeeze3A_436, %add3A_510 : i32
      %get3A_512 = arith.constant 4 : i32
      %get3A_513 = arith.index_cast %get3A_512 : i32 to index
      %get3A_514 = arith.index_cast %add3A_511 : i32 to index
      %get3A_515 = tpu.vector_load %arg12[%get3A_513, %get3A_514] {strides = array<i32>} : memref<16x128xf32, #tpu.memory_space<vmem>>, vector<16xf32>,
      %add3A_516 = arith.constant 48 : i32
      %add3A_517 = arith.addi %squeeze3A_438, %add3A_516 : i32
      %get3A_518 = arith.constant 4 : i32
      %get3A_519 = arith.index_cast %get3A_518 : i32 to index
      %get3A_520 = arith.index_cast %add3A_517 : i32 to index
      %get3A_521 = tpu.vector_load %arg13[%get3A_519, %get3A_520] {strides = array<i32>} : memref<16x128xf32, #tpu.memory_space<vmem>>, vector<16xf32>,
      %sub3A_522 = arith.subf %get3A_515, %get3A_521 : vector<16xf32>
      %mul3A_523 = arith.mulf %get3A_509, %sub3A_522 : vector<16xf32>
      %add3A_524 = arith.addf %add3A_503, %mul3A_523 : vector<16xf32>
      %broadcast_in_dim3A_525 = arith.constant 4 : i32
      %broadcast_in_dim3A_526 = vector.broadcast %broadcast_in_dim3A_525 : i32 to vector<16xi32>
      tpu.vector_store_idx %arg14[%iota3A, %broadcast_in_dim3A_526], %add3A_524 : memref<16x16xf32, #tpu.memory_space<vmem>>[vector<16xi32>, vector<16xi32>], vector<16xf32>,
      %slice3A_527 = vector.extract_strided_slice %mul3A_40 {offsets = [5], sizes = [1], strides = [1]} : vector<16xi32> to vector<1xi32>
      %squeeze3A_528 = vector.extract %slice3A_527[0] : i32 from vector<1xi32>
      %slice3A_529 = vector.extract_strided_slice %mul3A_46 {offsets = [5], sizes = [1], strides = [1]} : vector<16xi32> to vector<1xi32>
      %squeeze3A_530 = vector.extract %slice3A_529[0] : i32 from vector<1xi32>
      %slice3A_531 = vector.extract_strided_slice %mul3A_52 {offsets = [5], sizes = [1], strides = [1]} : vector<16xi32> to vector<1xi32>
      %squeeze3A_532 = vector.extract %slice3A_531[0] : i32 from vector<1xi32>
      %broadcast_in_dim3A_533 = arith.constant 0.000000e+00 : f32
      %broadcast_in_dim3A_534 = vector.broadcast %broadcast_in_dim3A_533 : f32 to vector<16xf32>
      %add3A_535 = arith.constant 0 : i32
      %add3A_536 = arith.addi %squeeze3A_528, %add3A_535 : i32
      %get3A_537 = arith.constant 5 : i32
      %get3A_538 = arith.index_cast %get3A_537 : i32 to index
      %get3A_539 = arith.index_cast %add3A_536 : i32 to index
      %get3A_540 = tpu.vector_load %arg11[%get3A_538, %get3A_539] {strides = array<i32>} : memref<16x128xf32, #tpu.memory_space<vmem>>, vector<16xf32>,
      %add3A_541 = arith.constant 0 : i32
      %add3A_542 = arith.addi %squeeze3A_530, %add3A_541 : i32
      %get3A_543 = arith.constant 5 : i32
      %get3A_544 = arith.index_cast %get3A_543 : i32 to index
      %get3A_545 = arith.index_cast %add3A_542 : i32 to index
      %get3A_546 = tpu.vector_load %arg12[%get3A_544, %get3A_545] {strides = array<i32>} : memref<16x128xf32, #tpu.memory_space<vmem>>, vector<16xf32>,
      %add3A_547 = arith.constant 0 : i32
      %add3A_548 = arith.addi %squeeze3A_532, %add3A_547 : i32
      %get3A_549 = arith.constant 5 : i32
      %get3A_550 = arith.index_cast %get3A_549 : i32 to index
      %get3A_551 = arith.index_cast %add3A_548 : i32 to index
      %get3A_552 = tpu.vector_load %arg13[%get3A_550, %get3A_551] {strides = array<i32>} : memref<16x128xf32, #tpu.memory_space<vmem>>, vector<16xf32>,
      %sub3A_553 = arith.subf %get3A_546, %get3A_552 : vector<16xf32>
      %mul3A_554 = arith.mulf %get3A_540, %sub3A_553 : vector<16xf32>
      %add3A_555 = arith.addf %broadcast_in_dim3A_534, %mul3A_554 : vector<16xf32>
      %add3A_556 = arith.constant 16 : i32
      %add3A_557 = arith.addi %squeeze3A_528, %add3A_556 : i32
      %get3A_558 = arith.constant 5 : i32
      %get3A_559 = arith.index_cast %get3A_558 : i32 to index
      %get3A_560 = arith.index_cast %add3A_557 : i32 to index
      %get3A_561 = tpu.vector_load %arg11[%get3A_559, %get3A_560] {strides = array<i32>} : memref<16x128xf32, #tpu.memory_space<vmem>>, vector<16xf32>,
      %add3A_562 = arith.constant 16 : i32
      %add3A_563 = arith.addi %squeeze3A_530, %add3A_562 : i32
      %get3A_564 = arith.constant 5 : i32
      %get3A_565 = arith.index_cast %get3A_564 : i32 to index
      %get3A_566 = arith.index_cast %add3A_563 : i32 to index
      %get3A_567 = tpu.vector_load %arg12[%get3A_565, %get3A_566] {strides = array<i32>} : memref<16x128xf32, #tpu.memory_space<vmem>>, vector<16xf32>,
      %add3A_568 = arith.constant 16 : i32
      %add3A_569 = arith.addi %squeeze3A_532, %add3A_568 : i32
      %get3A_570 = arith.constant 5 : i32
      %get3A_571 = arith.index_cast %get3A_570 : i32 to index
      %get3A_572 = arith.index_cast %add3A_569 : i32 to index
      %get3A_573 = tpu.vector_load %arg13[%get3A_571, %get3A_572] {strides = array<i32>} : memref<16x128xf32, #tpu.memory_space<vmem>>, vector<16xf32>,
      %sub3A_574 = arith.subf %get3A_567, %get3A_573 : vector<16xf32>
      %mul3A_575 = arith.mulf %get3A_561, %sub3A_574 : vector<16xf32>
      %add3A_576 = arith.addf %add3A_555, %mul3A_575 : vector<16xf32>
      %add3A_577 = arith.constant 32 : i32
      %add3A_578 = arith.addi %squeeze3A_528, %add3A_577 : i32
      %get3A_579 = arith.constant 5 : i32
      %get3A_580 = arith.index_cast %get3A_579 : i32 to index
      %get3A_581 = arith.index_cast %add3A_578 : i32 to index
      %get3A_582 = tpu.vector_load %arg11[%get3A_580, %get3A_581] {strides = array<i32>} : memref<16x128xf32, #tpu.memory_space<vmem>>, vector<16xf32>,
      %add3A_583 = arith.constant 32 : i32
      %add3A_584 = arith.addi %squeeze3A_530, %add3A_583 : i32
      %get3A_585 = arith.constant 5 : i32
      %get3A_586 = arith.index_cast %get3A_585 : i32 to index
      %get3A_587 = arith.index_cast %add3A_584 : i32 to index
      %get3A_588 = tpu.vector_load %arg12[%get3A_586, %get3A_587] {strides = array<i32>} : memref<16x128xf32, #tpu.memory_space<vmem>>, vector<16xf32>,
      %add3A_589 = arith.constant 32 : i32
      %add3A_590 = arith.addi %squeeze3A_532, %add3A_589 : i32
      %get3A_591 = arith.constant 5 : i32
      %get3A_592 = arith.index_cast %get3A_591 : i32 to index
      %get3A_593 = arith.index_cast %add3A_590 : i32 to index
      %get3A_594 = tpu.vector_load %arg13[%get3A_592, %get3A_593] {strides = array<i32>} : memref<16x128xf32, #tpu.memory_space<vmem>>, vector<16xf32>,
      %sub3A_595 = arith.subf %get3A_588, %get3A_594 : vector<16xf32>
      %mul3A_596 = arith.mulf %get3A_582, %sub3A_595 : vector<16xf32>
      %add3A_597 = arith.addf %add3A_576, %mul3A_596 : vector<16xf32>
      %add3A_598 = arith.constant 48 : i32
      %add3A_599 = arith.addi %squeeze3A_528, %add3A_598 : i32
      %get3A_600 = arith.constant 5 : i32
      %get3A_601 = arith.index_cast %get3A_600 : i32 to index
      %get3A_602 = arith.index_cast %add3A_599 : i32 to index
      %get3A_603 = tpu.vector_load %arg11[%get3A_601, %get3A_602] {strides = array<i32>} : memref<16x128xf32, #tpu.memory_space<vmem>>, vector<16xf32>,
      %add3A_604 = arith.constant 48 : i32
      %add3A_605 = arith.addi %squeeze3A_530, %add3A_604 : i32
      %get3A_606 = arith.constant 5 : i32
      %get3A_607 = arith.index_cast %get3A_606 : i32 to index
      %get3A_608 = arith.index_cast %add3A_605 : i32 to index
      %get3A_609 = tpu.vector_load %arg12[%get3A_607, %get3A_608] {strides = array<i32>} : memref<16x128xf32, #tpu.memory_space<vmem>>, vector<16xf32>,
      %add3A_610 = arith.constant 48 : i32
      %add3A_611 = arith.addi %squeeze3A_532, %add3A_610 : i32
      %get3A_612 = arith.constant 5 : i32
      %get3A_613 = arith.index_cast %get3A_612 : i32 to index
      %get3A_614 = arith.index_cast %add3A_611 : i32 to index
      %get3A_615 = tpu.vector_load %arg13[%get3A_613, %get3A_614] {strides = array<i32>} : memref<16x128xf32, #tpu.memory_space<vmem>>, vector<16xf32>,
      %sub3A_616 = arith.subf %get3A_609, %get3A_615 : vector<16xf32>
      %mul3A_617 = arith.mulf %get3A_603, %sub3A_616 : vector<16xf32>
      %add3A_618 = arith.addf %add3A_597, %mul3A_617 : vector<16xf32>
      %broadcast_in_dim3A_619 = arith.constant 5 : i32
      %broadcast_in_dim3A_620 = vector.broadcast %broadcast_in_dim3A_619 : i32 to vector<16xi32>
      tpu.vector_store_idx %arg14[%iota3A, %broadcast_in_dim3A_620], %add3A_618 : memref<16x16xf32, #tpu.memory_space<vmem>>[vector<16xi32>, vector<16xi32>], vector<16xf32>,
      %slice3A_621 = vector.extract_strided_slice %mul3A_40 {offsets = [6], sizes = [1], strides = [1]} : vector<16xi32> to vector<1xi32>
      %squeeze3A_622 = vector.extract %slice3A_621[0] : i32 from vector<1xi32>
      %slice3A_623 = vector.extract_strided_slice %mul3A_46 {offsets = [6], sizes = [1], strides = [1]} : vector<16xi32> to vector<1xi32>
      %squeeze3A_624 = vector.extract %slice3A_623[0] : i32 from vector<1xi32>
      %slice3A_625 = vector.extract_strided_slice %mul3A_52 {offsets = [6], sizes = [1], strides = [1]} : vector<16xi32> to vector<1xi32>
      %squeeze3A_626 = vector.extract %slice3A_625[0] : i32 from vector<1xi32>
      %broadcast_in_dim3A_627 = arith.constant 0.000000e+00 : f32
      %broadcast_in_dim3A_628 = vector.broadcast %broadcast_in_dim3A_627 : f32 to vector<16xf32>
      %add3A_629 = arith.constant 0 : i32
      %add3A_630 = arith.addi %squeeze3A_622, %add3A_629 : i32
      %get3A_631 = arith.constant 6 : i32
      %get3A_632 = arith.index_cast %get3A_631 : i32 to index
      %get3A_633 = arith.index_cast %add3A_630 : i32 to index
      %get3A_634 = tpu.vector_load %arg11[%get3A_632, %get3A_633] {strides = array<i32>} : memref<16x128xf32, #tpu.memory_space<vmem>>, vector<16xf32>,
      %add3A_635 = arith.constant 0 : i32
      %add3A_636 = arith.addi %squeeze3A_624, %add3A_635 : i32
      %get3A_637 = arith.constant 6 : i32
      %get3A_638 = arith.index_cast %get3A_637 : i32 to index
      %get3A_639 = arith.index_cast %add3A_636 : i32 to index
      %get3A_640 = tpu.vector_load %arg12[%get3A_638, %get3A_639] {strides = array<i32>} : memref<16x128xf32, #tpu.memory_space<vmem>>, vector<16xf32>,
      %add3A_641 = arith.constant 0 : i32
      %add3A_642 = arith.addi %squeeze3A_626, %add3A_641 : i32
      %get3A_643 = arith.constant 6 : i32
      %get3A_644 = arith.index_cast %get3A_643 : i32 to index
      %get3A_645 = arith.index_cast %add3A_642 : i32 to index
      %get3A_646 = tpu.vector_load %arg13[%get3A_644, %get3A_645] {strides = array<i32>} : memref<16x128xf32, #tpu.memory_space<vmem>>, vector<16xf32>,
      %sub3A_647 = arith.subf %get3A_640, %get3A_646 : vector<16xf32>
      %mul3A_648 = arith.mulf %get3A_634, %sub3A_647 : vector<16xf32>
      %add3A_649 = arith.addf %broadcast_in_dim3A_628, %mul3A_648 : vector<16xf32>
      %add3A_650 = arith.constant 16 : i32
      %add3A_651 = arith.addi %squeeze3A_622, %add3A_650 : i32
      %get3A_652 = arith.constant 6 : i32
      %get3A_653 = arith.index_cast %get3A_652 : i32 to index
      %get3A_654 = arith.index_cast %add3A_651 : i32 to index
      %get3A_655 = tpu.vector_load %arg11[%get3A_653, %get3A_654] {strides = array<i32>} : memref<16x128xf32, #tpu.memory_space<vmem>>, vector<16xf32>,
      %add3A_656 = arith.constant 16 : i32
      %add3A_657 = arith.addi %squeeze3A_624, %add3A_656 : i32
      %get3A_658 = arith.constant 6 : i32
      %get3A_659 = arith.index_cast %get3A_658 : i32 to index
      %get3A_660 = arith.index_cast %add3A_657 : i32 to index
      %get3A_661 = tpu.vector_load %arg12[%get3A_659, %get3A_660] {strides = array<i32>} : memref<16x128xf32, #tpu.memory_space<vmem>>, vector<16xf32>,
      %add3A_662 = arith.constant 16 : i32
      %add3A_663 = arith.addi %squeeze3A_626, %add3A_662 : i32
      %get3A_664 = arith.constant 6 : i32
      %get3A_665 = arith.index_cast %get3A_664 : i32 to index
      %get3A_666 = arith.index_cast %add3A_663 : i32 to index
      %get3A_667 = tpu.vector_load %arg13[%get3A_665, %get3A_666] {strides = array<i32>} : memref<16x128xf32, #tpu.memory_space<vmem>>, vector<16xf32>,
      %sub3A_668 = arith.subf %get3A_661, %get3A_667 : vector<16xf32>
      %mul3A_669 = arith.mulf %get3A_655, %sub3A_668 : vector<16xf32>
      %add3A_670 = arith.addf %add3A_649, %mul3A_669 : vector<16xf32>
      %add3A_671 = arith.constant 32 : i32
      %add3A_672 = arith.addi %squeeze3A_622, %add3A_671 : i32
      %get3A_673 = arith.constant 6 : i32
      %get3A_674 = arith.index_cast %get3A_673 : i32 to index
      %get3A_675 = arith.index_cast %add3A_672 : i32 to index
      %get3A_676 = tpu.vector_load %arg11[%get3A_674, %get3A_675] {strides = array<i32>} : memref<16x128xf32, #tpu.memory_space<vmem>>, vector<16xf32>,
      %add3A_677 = arith.constant 32 : i32
      %add3A_678 = arith.addi %squeeze3A_624, %add3A_677 : i32
      %get3A_679 = arith.constant 6 : i32
      %get3A_680 = arith.index_cast %get3A_679 : i32 to index
      %get3A_681 = arith.index_cast %add3A_678 : i32 to index
      %get3A_682 = tpu.vector_load %arg12[%get3A_680, %get3A_681] {strides = array<i32>} : memref<16x128xf32, #tpu.memory_space<vmem>>, vector<16xf32>,
      %add3A_683 = arith.constant 32 : i32
      %add3A_684 = arith.addi %squeeze3A_626, %add3A_683 : i32
      %get3A_685 = arith.constant 6 : i32
      %get3A_686 = arith.index_cast %get3A_685 : i32 to index
      %get3A_687 = arith.index_cast %add3A_684 : i32 to index
      %get3A_688 = tpu.vector_load %arg13[%get3A_686, %get3A_687] {strides = array<i32>} : memref<16x128xf32, #tpu.memory_space<vmem>>, vector<16xf32>,
      %sub3A_689 = arith.subf %get3A_682, %get3A_688 : vector<16xf32>
      %mul3A_690 = arith.mulf %get3A_676, %sub3A_689 : vector<16xf32>
      %add3A_691 = arith.addf %add3A_670, %mul3A_690 : vector<16xf32>
      %add3A_692 = arith.constant 48 : i32
      %add3A_693 = arith.addi %squeeze3A_622, %add3A_692 : i32
      %get3A_694 = arith.constant 6 : i32
      %get3A_695 = arith.index_cast %get3A_694 : i32 to index
      %get3A_696 = arith.index_cast %add3A_693 : i32 to index
      %get3A_697 = tpu.vector_load %arg11[%get3A_695, %get3A_696] {strides = array<i32>} : memref<16x128xf32, #tpu.memory_space<vmem>>, vector<16xf32>,
      %add3A_698 = arith.constant 48 : i32
      %add3A_699 = arith.addi %squeeze3A_624, %add3A_698 : i32
      %get3A_700 = arith.constant 6 : i32
      %get3A_701 = arith.index_cast %get3A_700 : i32 to index
      %get3A_702 = arith.index_cast %add3A_699 : i32 to index
      %get3A_703 = tpu.vector_load %arg12[%get3A_701, %get3A_702] {strides = array<i32>} : memref<16x128xf32, #tpu.memory_space<vmem>>, vector<16xf32>,
      %add3A_704 = arith.constant 48 : i32
      %add3A_705 = arith.addi %squeeze3A_626, %add3A_704 : i32
      %get3A_706 = arith.constant 6 : i32
      %get3A_707 = arith.index_cast %get3A_706 : i32 to index
      %get3A_708 = arith.index_cast %add3A_705 : i32 to index
      %get3A_709 = tpu.vector_load %arg13[%get3A_707, %get3A_708] {strides = array<i32>} : memref<16x128xf32, #tpu.memory_space<vmem>>, vector<16xf32>,
      %sub3A_710 = arith.subf %get3A_703, %get3A_709 : vector<16xf32>
      %mul3A_711 = arith.mulf %get3A_697, %sub3A_710 : vector<16xf32>
      %add3A_712 = arith.addf %add3A_691, %mul3A_711 : vector<16xf32>
      %broadcast_in_dim3A_713 = arith.constant 6 : i32
      %broadcast_in_dim3A_714 = vector.broadcast %broadcast_in_dim3A_713 : i32 to vector<16xi32>
      tpu.vector_store_idx %arg14[%iota3A, %broadcast_in_dim3A_714], %add3A_712 : memref<16x16xf32, #tpu.memory_space<vmem>>[vector<16xi32>, vector<16xi32>], vector<16xf32>,
      %slice3A_715 = vector.extract_strided_slice %mul3A_40 {offsets = [7], sizes = [1], strides = [1]} : vector<16xi32> to vector<1xi32>
      %squeeze3A_716 = vector.extract %slice3A_715[0] : i32 from vector<1xi32>
      %slice3A_717 = vector.extract_strided_slice %mul3A_46 {offsets = [7], sizes = [1], strides = [1]} : vector<16xi32> to vector<1xi32>
      %squeeze3A_718 = vector.extract %slice3A_717[0] : i32 from vector<1xi32>
      %slice3A_719 = vector.extract_strided_slice %mul3A_52 {offsets = [7], sizes = [1], strides = [1]} : vector<16xi32> to vector<1xi32>
      %squeeze3A_720 = vector.extract %slice3A_719[0] : i32 from vector<1xi32>
      %broadcast_in_dim3A_721 = arith.constant 0.000000e+00 : f32
      %broadcast_in_dim3A_722 = vector.broadcast %broadcast_in_dim3A_721 : f32 to vector<16xf32>
      %add3A_723 = arith.constant 0 : i32
      %add3A_724 = arith.addi %squeeze3A_716, %add3A_723 : i32
      %get3A_725 = arith.constant 7 : i32
      %get3A_726 = arith.index_cast %get3A_725 : i32 to index
      %get3A_727 = arith.index_cast %add3A_724 : i32 to index
      %get3A_728 = tpu.vector_load %arg11[%get3A_726, %get3A_727] {strides = array<i32>} : memref<16x128xf32, #tpu.memory_space<vmem>>, vector<16xf32>,
      %add3A_729 = arith.constant 0 : i32
      %add3A_730 = arith.addi %squeeze3A_718, %add3A_729 : i32
      %get3A_731 = arith.constant 7 : i32
      %get3A_732 = arith.index_cast %get3A_731 : i32 to index
      %get3A_733 = arith.index_cast %add3A_730 : i32 to index
      %get3A_734 = tpu.vector_load %arg12[%get3A_732, %get3A_733] {strides = array<i32>} : memref<16x128xf32, #tpu.memory_space<vmem>>, vector<16xf32>,
      %add3A_735 = arith.constant 0 : i32
      %add3A_736 = arith.addi %squeeze3A_720, %add3A_735 : i32
      %get3A_737 = arith.constant 7 : i32
      %get3A_738 = arith.index_cast %get3A_737 : i32 to index
      %get3A_739 = arith.index_cast %add3A_736 : i32 to index
      %get3A_740 = tpu.vector_load %arg13[%get3A_738, %get3A_739] {strides = array<i32>} : memref<16x128xf32, #tpu.memory_space<vmem>>, vector<16xf32>,
      %sub3A_741 = arith.subf %get3A_734, %get3A_740 : vector<16xf32>
      %mul3A_742 = arith.mulf %get3A_728, %sub3A_741 : vector<16xf32>
      %add3A_743 = arith.addf %broadcast_in_dim3A_722, %mul3A_742 : vector<16xf32>
      %add3A_744 = arith.constant 16 : i32
      %add3A_745 = arith.addi %squeeze3A_716, %add3A_744 : i32
      %get3A_746 = arith.constant 7 : i32
      %get3A_747 = arith.index_cast %get3A_746 : i32 to index
      %get3A_748 = arith.index_cast %add3A_745 : i32 to index
      %get3A_749 = tpu.vector_load %arg11[%get3A_747, %get3A_748] {strides = array<i32>} : memref<16x128xf32, #tpu.memory_space<vmem>>, vector<16xf32>,
      %add3A_750 = arith.constant 16 : i32
      %add3A_751 = arith.addi %squeeze3A_718, %add3A_750 : i32
      %get3A_752 = arith.constant 7 : i32
      %get3A_753 = arith.index_cast %get3A_752 : i32 to index
      %get3A_754 = arith.index_cast %add3A_751 : i32 to index
      %get3A_755 = tpu.vector_load %arg12[%get3A_753, %get3A_754] {strides = array<i32>} : memref<16x128xf32, #tpu.memory_space<vmem>>, vector<16xf32>,
      %add3A_756 = arith.constant 16 : i32
      %add3A_757 = arith.addi %squeeze3A_720, %add3A_756 : i32
      %get3A_758 = arith.constant 7 : i32
      %get3A_759 = arith.index_cast %get3A_758 : i32 to index
      %get3A_760 = arith.index_cast %add3A_757 : i32 to index
      %get3A_761 = tpu.vector_load %arg13[%get3A_759, %get3A_760] {strides = array<i32>} : memref<16x128xf32, #tpu.memory_space<vmem>>, vector<16xf32>,
      %sub3A_762 = arith.subf %get3A_755, %get3A_761 : vector<16xf32>
      %mul3A_763 = arith.mulf %get3A_749, %sub3A_762 : vector<16xf32>
      %add3A_764 = arith.addf %add3A_743, %mul3A_763 : vector<16xf32>
      %add3A_765 = arith.constant 32 : i32
      %add3A_766 = arith.addi %squeeze3A_716, %add3A_765 : i32
      %get3A_767 = arith.constant 7 : i32
      %get3A_768 = arith.index_cast %get3A_767 : i32 to index
      %get3A_769 = arith.index_cast %add3A_766 : i32 to index
      %get3A_770 = tpu.vector_load %arg11[%get3A_768, %get3A_769] {strides = array<i32>} : memref<16x128xf32, #tpu.memory_space<vmem>>, vector<16xf32>,
      %add3A_771 = arith.constant 32 : i32
      %add3A_772 = arith.addi %squeeze3A_718, %add3A_771 : i32
      %get3A_773 = arith.constant 7 : i32
      %get3A_774 = arith.index_cast %get3A_773 : i32 to index
      %get3A_775 = arith.index_cast %add3A_772 : i32 to index
      %get3A_776 = tpu.vector_load %arg12[%get3A_774, %get3A_775] {strides = array<i32>} : memref<16x128xf32, #tpu.memory_space<vmem>>, vector<16xf32>,
      %add3A_777 = arith.constant 32 : i32
      %add3A_778 = arith.addi %squeeze3A_720, %add3A_777 : i32
      %get3A_779 = arith.constant 7 : i32
      %get3A_780 = arith.index_cast %get3A_779 : i32 to index
      %get3A_781 = arith.index_cast %add3A_778 : i32 to index
      %get3A_782 = tpu.vector_load %arg13[%get3A_780, %get3A_781] {strides = array<i32>} : memref<16x128xf32, #tpu.memory_space<vmem>>, vector<16xf32>,
      %sub3A_783 = arith.subf %get3A_776, %get3A_782 : vector<16xf32>
      %mul3A_784 = arith.mulf %get3A_770, %sub3A_783 : vector<16xf32>
      %add3A_785 = arith.addf %add3A_764, %mul3A_784 : vector<16xf32>
      %add3A_786 = arith.constant 48 : i32
      %add3A_787 = arith.addi %squeeze3A_716, %add3A_786 : i32
      %get3A_788 = arith.constant 7 : i32
      %get3A_789 = arith.index_cast %get3A_788 : i32 to index
      %get3A_790 = arith.index_cast %add3A_787 : i32 to index
      %get3A_791 = tpu.vector_load %arg11[%get3A_789, %get3A_790] {strides = array<i32>} : memref<16x128xf32, #tpu.memory_space<vmem>>, vector<16xf32>,
      %add3A_792 = arith.constant 48 : i32
      %add3A_793 = arith.addi %squeeze3A_718, %add3A_792 : i32
      %get3A_794 = arith.constant 7 : i32
      %get3A_795 = arith.index_cast %get3A_794 : i32 to index
      %get3A_796 = arith.index_cast %add3A_793 : i32 to index
      %get3A_797 = tpu.vector_load %arg12[%get3A_795, %get3A_796] {strides = array<i32>} : memref<16x128xf32, #tpu.memory_space<vmem>>, vector<16xf32>,
      %add3A_798 = arith.constant 48 : i32
      %add3A_799 = arith.addi %squeeze3A_720, %add3A_798 : i32
      %get3A_800 = arith.constant 7 : i32
      %get3A_801 = arith.index_cast %get3A_800 : i32 to index
      %get3A_802 = arith.index_cast %add3A_799 : i32 to index
      %get3A_803 = tpu.vector_load %arg13[%get3A_801, %get3A_802] {strides = array<i32>} : memref<16x128xf32, #tpu.memory_space<vmem>>, vector<16xf32>,
      %sub3A_804 = arith.subf %get3A_797, %get3A_803 : vector<16xf32>
      %mul3A_805 = arith.mulf %get3A_791, %sub3A_804 : vector<16xf32>
      %add3A_806 = arith.addf %add3A_785, %mul3A_805 : vector<16xf32>
      %broadcast_in_dim3A_807 = arith.constant 7 : i32
      %broadcast_in_dim3A_808 = vector.broadcast %broadcast_in_dim3A_807 : i32 to vector<16xi32>
      tpu.vector_store_idx %arg14[%iota3A, %broadcast_in_dim3A_808], %add3A_806 : memref<16x16xf32, #tpu.memory_space<vmem>>[vector<16xi32>, vector<16xi32>], vector<16xf32>,
      %slice3A_809 = vector.extract_strided_slice %mul3A_40 {offsets = [8], sizes = [1], strides = [1]} : vector<16xi32> to vector<1xi32>
      %squeeze3A_810 = vector.extract %slice3A_809[0] : i32 from vector<1xi32>
      %slice3A_811 = vector.extract_strided_slice %mul3A_46 {offsets = [8], sizes = [1], strides = [1]} : vector<16xi32> to vector<1xi32>
      %squeeze3A_812 = vector.extract %slice3A_811[0] : i32 from vector<1xi32>
      %slice3A_813 = vector.extract_strided_slice %mul3A_52 {offsets = [8], sizes = [1], strides = [1]} : vector<16xi32> to vector<1xi32>
      %squeeze3A_814 = vector.extract %slice3A_813[0] : i32 from vector<1xi32>
      %broadcast_in_dim3A_815 = arith.constant 0.000000e+00 : f32
      %broadcast_in_dim3A_816 = vector.broadcast %broadcast_in_dim3A_815 : f32 to vector<16xf32>
      %add3A_817 = arith.constant 0 : i32
      %add3A_818 = arith.addi %squeeze3A_810, %add3A_817 : i32
      %get3A_819 = arith.constant 8 : i32
      %get3A_820 = arith.index_cast %get3A_819 : i32 to index
      %get3A_821 = arith.index_cast %add3A_818 : i32 to index
      %get3A_822 = tpu.vector_load %arg11[%get3A_820, %get3A_821] {strides = array<i32>} : memref<16x128xf32, #tpu.memory_space<vmem>>, vector<16xf32>,
      %add3A_823 = arith.constant 0 : i32
      %add3A_824 = arith.addi %squeeze3A_812, %add3A_823 : i32
      %get3A_825 = arith.constant 8 : i32
      %get3A_826 = arith.index_cast %get3A_825 : i32 to index
      %get3A_827 = arith.index_cast %add3A_824 : i32 to index
      %get3A_828 = tpu.vector_load %arg12[%get3A_826, %get3A_827] {strides = array<i32>} : memref<16x128xf32, #tpu.memory_space<vmem>>, vector<16xf32>,
      %add3A_829 = arith.constant 0 : i32
      %add3A_830 = arith.addi %squeeze3A_814, %add3A_829 : i32
      %get3A_831 = arith.constant 8 : i32
      %get3A_832 = arith.index_cast %get3A_831 : i32 to index
      %get3A_833 = arith.index_cast %add3A_830 : i32 to index
      %get3A_834 = tpu.vector_load %arg13[%get3A_832, %get3A_833] {strides = array<i32>} : memref<16x128xf32, #tpu.memory_space<vmem>>, vector<16xf32>,
      %sub3A_835 = arith.subf %get3A_828, %get3A_834 : vector<16xf32>
      %mul3A_836 = arith.mulf %get3A_822, %sub3A_835 : vector<16xf32>
      %add3A_837 = arith.addf %broadcast_in_dim3A_816, %mul3A_836 : vector<16xf32>
      %add3A_838 = arith.constant 16 : i32
      %add3A_839 = arith.addi %squeeze3A_810, %add3A_838 : i32
      %get3A_840 = arith.constant 8 : i32
      %get3A_841 = arith.index_cast %get3A_840 : i32 to index
      %get3A_842 = arith.index_cast %add3A_839 : i32 to index
      %get3A_843 = tpu.vector_load %arg11[%get3A_841, %get3A_842] {strides = array<i32>} : memref<16x128xf32, #tpu.memory_space<vmem>>, vector<16xf32>,
      %add3A_844 = arith.constant 16 : i32
      %add3A_845 = arith.addi %squeeze3A_812, %add3A_844 : i32
      %get3A_846 = arith.constant 8 : i32
      %get3A_847 = arith.index_cast %get3A_846 : i32 to index
      %get3A_848 = arith.index_cast %add3A_845 : i32 to index
      %get3A_849 = tpu.vector_load %arg12[%get3A_847, %get3A_848] {strides = array<i32>} : memref<16x128xf32, #tpu.memory_space<vmem>>, vector<16xf32>,
      %add3A_850 = arith.constant 16 : i32
      %add3A_851 = arith.addi %squeeze3A_814, %add3A_850 : i32
      %get3A_852 = arith.constant 8 : i32
      %get3A_853 = arith.index_cast %get3A_852 : i32 to index
      %get3A_854 = arith.index_cast %add3A_851 : i32 to index
      %get3A_855 = tpu.vector_load %arg13[%get3A_853, %get3A_854] {strides = array<i32>} : memref<16x128xf32, #tpu.memory_space<vmem>>, vector<16xf32>,
      %sub3A_856 = arith.subf %get3A_849, %get3A_855 : vector<16xf32>
      %mul3A_857 = arith.mulf %get3A_843, %sub3A_856 : vector<16xf32>
      %add3A_858 = arith.addf %add3A_837, %mul3A_857 : vector<16xf32>
      %add3A_859 = arith.constant 32 : i32
      %add3A_860 = arith.addi %squeeze3A_810, %add3A_859 : i32
      %get3A_861 = arith.constant 8 : i32
      %get3A_862 = arith.index_cast %get3A_861 : i32 to index
      %get3A_863 = arith.index_cast %add3A_860 : i32 to index
      %get3A_864 = tpu.vector_load %arg11[%get3A_862, %get3A_863] {strides = array<i32>} : memref<16x128xf32, #tpu.memory_space<vmem>>, vector<16xf32>,
      %add3A_865 = arith.constant 32 : i32
      %add3A_866 = arith.addi %squeeze3A_812, %add3A_865 : i32
      %get3A_867 = arith.constant 8 : i32
      %get3A_868 = arith.index_cast %get3A_867 : i32 to index
      %get3A_869 = arith.index_cast %add3A_866 : i32 to index
      %get3A_870 = tpu.vector_load %arg12[%get3A_868, %get3A_869] {strides = array<i32>} : memref<16x128xf32, #tpu.memory_space<vmem>>, vector<16xf32>,
      %add3A_871 = arith.constant 32 : i32
      %add3A_872 = arith.addi %squeeze3A_814, %add3A_871 : i32
      %get3A_873 = arith.constant 8 : i32
      %get3A_874 = arith.index_cast %get3A_873 : i32 to index
      %get3A_875 = arith.index_cast %add3A_872 : i32 to index
      %get3A_876 = tpu.vector_load %arg13[%get3A_874, %get3A_875] {strides = array<i32>} : memref<16x128xf32, #tpu.memory_space<vmem>>, vector<16xf32>,
      %sub3A_877 = arith.subf %get3A_870, %get3A_876 : vector<16xf32>
      %mul3A_878 = arith.mulf %get3A_864, %sub3A_877 : vector<16xf32>
      %add3A_879 = arith.addf %add3A_858, %mul3A_878 : vector<16xf32>
      %add3A_880 = arith.constant 48 : i32
      %add3A_881 = arith.addi %squeeze3A_810, %add3A_880 : i32
      %get3A_882 = arith.constant 8 : i32
      %get3A_883 = arith.index_cast %get3A_882 : i32 to index
      %get3A_884 = arith.index_cast %add3A_881 : i32 to index
      %get3A_885 = tpu.vector_load %arg11[%get3A_883, %get3A_884] {strides = array<i32>} : memref<16x128xf32, #tpu.memory_space<vmem>>, vector<16xf32>,
      %add3A_886 = arith.constant 48 : i32
      %add3A_887 = arith.addi %squeeze3A_812, %add3A_886 : i32
      %get3A_888 = arith.constant 8 : i32
      %get3A_889 = arith.index_cast %get3A_888 : i32 to index
      %get3A_890 = arith.index_cast %add3A_887 : i32 to index
      %get3A_891 = tpu.vector_load %arg12[%get3A_889, %get3A_890] {strides = array<i32>} : memref<16x128xf32, #tpu.memory_space<vmem>>, vector<16xf32>,
      %add3A_892 = arith.constant 48 : i32
      %add3A_893 = arith.addi %squeeze3A_814, %add3A_892 : i32
      %get3A_894 = arith.constant 8 : i32
      %get3A_895 = arith.index_cast %get3A_894 : i32 to index
      %get3A_896 = arith.index_cast %add3A_893 : i32 to index
      %get3A_897 = tpu.vector_load %arg13[%get3A_895, %get3A_896] {strides = array<i32>} : memref<16x128xf32, #tpu.memory_space<vmem>>, vector<16xf32>,
      %sub3A_898 = arith.subf %get3A_891, %get3A_897 : vector<16xf32>
      %mul3A_899 = arith.mulf %get3A_885, %sub3A_898 : vector<16xf32>
      %add3A_900 = arith.addf %add3A_879, %mul3A_899 : vector<16xf32>
      %broadcast_in_dim3A_901 = arith.constant 8 : i32
      %broadcast_in_dim3A_902 = vector.broadcast %broadcast_in_dim3A_901 : i32 to vector<16xi32>
      tpu.vector_store_idx %arg14[%iota3A, %broadcast_in_dim3A_902], %add3A_900 : memref<16x16xf32, #tpu.memory_space<vmem>>[vector<16xi32>, vector<16xi32>], vector<16xf32>,
      %slice3A_903 = vector.extract_strided_slice %mul3A_40 {offsets = [9], sizes = [1], strides = [1]} : vector<16xi32> to vector<1xi32>
      %squeeze3A_904 = vector.extract %slice3A_903[0] : i32 from vector<1xi32>
      %slice3A_905 = vector.extract_strided_slice %mul3A_46 {offsets = [9], sizes = [1], strides = [1]} : vector<16xi32> to vector<1xi32>
      %squeeze3A_906 = vector.extract %slice3A_905[0] : i32 from vector<1xi32>
      %slice3A_907 = vector.extract_strided_slice %mul3A_52 {offsets = [9], sizes = [1], strides = [1]} : vector<16xi32> to vector<1xi32>
      %squeeze3A_908 = vector.extract %slice3A_907[0] : i32 from vector<1xi32>
      %broadcast_in_dim3A_909 = arith.constant 0.000000e+00 : f32
      %broadcast_in_dim3A_910 = vector.broadcast %broadcast_in_dim3A_909 : f32 to vector<16xf32>
      %add3A_911 = arith.constant 0 : i32
      %add3A_912 = arith.addi %squeeze3A_904, %add3A_911 : i32
      %get3A_913 = arith.constant 9 : i32
      %get3A_914 = arith.index_cast %get3A_913 : i32 to index
      %get3A_915 = arith.index_cast %add3A_912 : i32 to index
      %get3A_916 = tpu.vector_load %arg11[%get3A_914, %get3A_915] {strides = array<i32>} : memref<16x128xf32, #tpu.memory_space<vmem>>, vector<16xf32>,
      %add3A_917 = arith.constant 0 : i32
      %add3A_918 = arith.addi %squeeze3A_906, %add3A_917 : i32
      %get3A_919 = arith.constant 9 : i32
      %get3A_920 = arith.index_cast %get3A_919 : i32 to index
      %get3A_921 = arith.index_cast %add3A_918 : i32 to index
      %get3A_922 = tpu.vector_load %arg12[%get3A_920, %get3A_921] {strides = array<i32>} : memref<16x128xf32, #tpu.memory_space<vmem>>, vector<16xf32>,
      %add3A_923 = arith.constant 0 : i32
      %add3A_924 = arith.addi %squeeze3A_908, %add3A_923 : i32
      %get3A_925 = arith.constant 9 : i32
      %get3A_926 = arith.index_cast %get3A_925 : i32 to index
      %get3A_927 = arith.index_cast %add3A_924 : i32 to index
      %get3A_928 = tpu.vector_load %arg13[%get3A_926, %get3A_927] {strides = array<i32>} : memref<16x128xf32, #tpu.memory_space<vmem>>, vector<16xf32>,
      %sub3A_929 = arith.subf %get3A_922, %get3A_928 : vector<16xf32>
      %mul3A_930 = arith.mulf %get3A_916, %sub3A_929 : vector<16xf32>
      %add3A_931 = arith.addf %broadcast_in_dim3A_910, %mul3A_930 : vector<16xf32>
      %add3A_932 = arith.constant 16 : i32
      %add3A_933 = arith.addi %squeeze3A_904, %add3A_932 : i32
      %get3A_934 = arith.constant 9 : i32
      %get3A_935 = arith.index_cast %get3A_934 : i32 to index
      %get3A_936 = arith.index_cast %add3A_933 : i32 to index
      %get3A_937 = tpu.vector_load %arg11[%get3A_935, %get3A_936] {strides = array<i32>} : memref<16x128xf32, #tpu.memory_space<vmem>>, vector<16xf32>,
      %add3A_938 = arith.constant 16 : i32
      %add3A_939 = arith.addi %squeeze3A_906, %add3A_938 : i32
      %get3A_940 = arith.constant 9 : i32
      %get3A_941 = arith.index_cast %get3A_940 : i32 to index
      %get3A_942 = arith.index_cast %add3A_939 : i32 to index
      %get3A_943 = tpu.vector_load %arg12[%get3A_941, %get3A_942] {strides = array<i32>} : memref<16x128xf32, #tpu.memory_space<vmem>>, vector<16xf32>,
      %add3A_944 = arith.constant 16 : i32
      %add3A_945 = arith.addi %squeeze3A_908, %add3A_944 : i32
      %get3A_946 = arith.constant 9 : i32
      %get3A_947 = arith.index_cast %get3A_946 : i32 to index
      %get3A_948 = arith.index_cast %add3A_945 : i32 to index
      %get3A_949 = tpu.vector_load %arg13[%get3A_947, %get3A_948] {strides = array<i32>} : memref<16x128xf32, #tpu.memory_space<vmem>>, vector<16xf32>,
      %sub3A_950 = arith.subf %get3A_943, %get3A_949 : vector<16xf32>
      %mul3A_951 = arith.mulf %get3A_937, %sub3A_950 : vector<16xf32>
      %add3A_952 = arith.addf %add3A_931, %mul3A_951 : vector<16xf32>
      %add3A_953 = arith.constant 32 : i32
      %add3A_954 = arith.addi %squeeze3A_904, %add3A_953 : i32
      %get3A_955 = arith.constant 9 : i32
      %get3A_956 = arith.index_cast %get3A_955 : i32 to index
      %get3A_957 = arith.index_cast %add3A_954 : i32 to index
      %get3A_958 = tpu.vector_load %arg11[%get3A_956, %get3A_957] {strides = array<i32>} : memref<16x128xf32, #tpu.memory_space<vmem>>, vector<16xf32>,
      %add3A_959 = arith.constant 32 : i32
      %add3A_960 = arith.addi %squeeze3A_906, %add3A_959 : i32
      %get3A_961 = arith.constant 9 : i32
      %get3A_962 = arith.index_cast %get3A_961 : i32 to index
      %get3A_963 = arith.index_cast %add3A_960 : i32 to index
      %get3A_964 = tpu.vector_load %arg12[%get3A_962, %get3A_963] {strides = array<i32>} : memref<16x128xf32, #tpu.memory_space<vmem>>, vector<16xf32>,
      %add3A_965 = arith.constant 32 : i32
      %add3A_966 = arith.addi %squeeze3A_908, %add3A_965 : i32
      %get3A_967 = arith.constant 9 : i32
      %get3A_968 = arith.index_cast %get3A_967 : i32 to index
      %get3A_969 = arith.index_cast %add3A_966 : i32 to index
      %get3A_970 = tpu.vector_load %arg13[%get3A_968, %get3A_969] {strides = array<i32>} : memref<16x128xf32, #tpu.memory_space<vmem>>, vector<16xf32>,
      %sub3A_971 = arith.subf %get3A_964, %get3A_970 : vector<16xf32>
      %mul3A_972 = arith.mulf %get3A_958, %sub3A_971 : vector<16xf32>
      %add3A_973 = arith.addf %add3A_952, %mul3A_972 : vector<16xf32>
      %add3A_974 = arith.constant 48 : i32
      %add3A_975 = arith.addi %squeeze3A_904, %add3A_974 : i32
      %get3A_976 = arith.constant 9 : i32
      %get3A_977 = arith.index_cast %get3A_976 : i32 to index
      %get3A_978 = arith.index_cast %add3A_975 : i32 to index
      %get3A_979 = tpu.vector_load %arg11[%get3A_977, %get3A_978] {strides = array<i32>} : memref<16x128xf32, #tpu.memory_space<vmem>>, vector<16xf32>,
      %add3A_980 = arith.constant 48 : i32
      %add3A_981 = arith.addi %squeeze3A_906, %add3A_980 : i32
      %get3A_982 = arith.constant 9 : i32
      %get3A_983 = arith.index_cast %get3A_982 : i32 to index
      %get3A_984 = arith.index_cast %add3A_981 : i32 to index
      %get3A_985 = tpu.vector_load %arg12[%get3A_983, %get3A_984] {strides = array<i32>} : memref<16x128xf32, #tpu.memory_space<vmem>>, vector<16xf32>,
      %add3A_986 = arith.constant 48 : i32
      %add3A_987 = arith.addi %squeeze3A_908, %add3A_986 : i32
      %get3A_988 = arith.constant 9 : i32
      %get3A_989 = arith.index_cast %get3A_988 : i32 to index
      %get3A_990 = arith.index_cast %add3A_987 : i32 to index
      %get3A_991 = tpu.vector_load %arg13[%get3A_989, %get3A_990] {strides = array<i32>} : memref<16x128xf32, #tpu.memory_space<vmem>>, vector<16xf32>,
      %sub3A_992 = arith.subf %get3A_985, %get3A_991 : vector<16xf32>
      %mul3A_993 = arith.mulf %get3A_979, %sub3A_992 : vector<16xf32>
      %add3A_994 = arith.addf %add3A_973, %mul3A_993 : vector<16xf32>
      %broadcast_in_dim3A_995 = arith.constant 9 : i32
      %broadcast_in_dim3A_996 = vector.broadcast %broadcast_in_dim3A_995 : i32 to vector<16xi32>
      tpu.vector_store_idx %arg14[%iota3A, %broadcast_in_dim3A_996], %add3A_994 : memref<16x16xf32, #tpu.memory_space<vmem>>[vector<16xi32>, vector<16xi32>], vector<16xf32>,
      %slice3A_997 = vector.extract_strided_slice %mul3A_40 {offsets = [10], sizes = [1], strides = [1]} : vector<16xi32> to vector<1xi32>
      %squeeze3A_998 = vector.extract %slice3A_997[0] : i32 from vector<1xi32>
      %slice3A_999 = vector.extract_strided_slice %mul3A_46 {offsets = [10], sizes = [1], strides = [1]} : vector<16xi32> to vector<1xi32>
      %squeeze3A_1000 = vector.extract %slice3A_999[0] : i32 from vector<1xi32>
      %slice3A_1001 = vector.extract_strided_slice %mul3A_52 {offsets = [10], sizes = [1], strides = [1]} : vector<16xi32> to vector<1xi32>
      %squeeze3A_1002 = vector.extract %slice3A_1001[0] : i32 from vector<1xi32>
      %broadcast_in_dim3A_1003 = arith.constant 0.000000e+00 : f32
      %broadcast_in_dim3A_1004 = vector.broadcast %broadcast_in_dim3A_1003 : f32 to vector<16xf32>
      %add3A_1005 = arith.constant 0 : i32
      %add3A_1006 = arith.addi %squeeze3A_998, %add3A_1005 : i32
      %get3A_1007 = arith.constant 10 : i32
      %get3A_1008 = arith.index_cast %get3A_1007 : i32 to index
      %get3A_1009 = arith.index_cast %add3A_1006 : i32 to index
      %get3A_1010 = tpu.vector_load %arg11[%get3A_1008, %get3A_1009] {strides = array<i32>} : memref<16x128xf32, #tpu.memory_space<vmem>>, vector<16xf32>,
      %add3A_1011 = arith.constant 0 : i32
      %add3A_1012 = arith.addi %squeeze3A_1000, %add3A_1011 : i32
      %get3A_1013 = arith.constant 10 : i32
      %get3A_1014 = arith.index_cast %get3A_1013 : i32 to index
      %get3A_1015 = arith.index_cast %add3A_1012 : i32 to index
      %get3A_1016 = tpu.vector_load %arg12[%get3A_1014, %get3A_1015] {strides = array<i32>} : memref<16x128xf32, #tpu.memory_space<vmem>>, vector<16xf32>,
      %add3A_1017 = arith.constant 0 : i32
      %add3A_1018 = arith.addi %squeeze3A_1002, %add3A_1017 : i32
      %get3A_1019 = arith.constant 10 : i32
      %get3A_1020 = arith.index_cast %get3A_1019 : i32 to index
      %get3A_1021 = arith.index_cast %add3A_1018 : i32 to index
      %get3A_1022 = tpu.vector_load %arg13[%get3A_1020, %get3A_1021] {strides = array<i32>} : memref<16x128xf32, #tpu.memory_space<vmem>>, vector<16xf32>,
      %sub3A_1023 = arith.subf %get3A_1016, %get3A_1022 : vector<16xf32>
      %mul3A_1024 = arith.mulf %get3A_1010, %sub3A_1023 : vector<16xf32>
      %add3A_1025 = arith.addf %broadcast_in_dim3A_1004, %mul3A_1024 : vector<16xf32>
      %add3A_1026 = arith.constant 16 : i32
      %add3A_1027 = arith.addi %squeeze3A_998, %add3A_1026 : i32
      %get3A_1028 = arith.constant 10 : i32
      %get3A_1029 = arith.index_cast %get3A_1028 : i32 to index
      %get3A_1030 = arith.index_cast %add3A_1027 : i32 to index
      %get3A_1031 = tpu.vector_load %arg11[%get3A_1029, %get3A_1030] {strides = array<i32>} : memref<16x128xf32, #tpu.memory_space<vmem>>, vector<16xf32>,
      %add3A_1032 = arith.constant 16 : i32
      %add3A_1033 = arith.addi %squeeze3A_1000, %add3A_1032 : i32
      %get3A_1034 = arith.constant 10 : i32
      %get3A_1035 = arith.index_cast %get3A_1034 : i32 to index
      %get3A_1036 = arith.index_cast %add3A_1033 : i32 to index
      %get3A_1037 = tpu.vector_load %arg12[%get3A_1035, %get3A_1036] {strides = array<i32>} : memref<16x128xf32, #tpu.memory_space<vmem>>, vector<16xf32>,
      %add3A_1038 = arith.constant 16 : i32
      %add3A_1039 = arith.addi %squeeze3A_1002, %add3A_1038 : i32
      %get3A_1040 = arith.constant 10 : i32
      %get3A_1041 = arith.index_cast %get3A_1040 : i32 to index
      %get3A_1042 = arith.index_cast %add3A_1039 : i32 to index
      %get3A_1043 = tpu.vector_load %arg13[%get3A_1041, %get3A_1042] {strides = array<i32>} : memref<16x128xf32, #tpu.memory_space<vmem>>, vector<16xf32>,
      %sub3A_1044 = arith.subf %get3A_1037, %get3A_1043 : vector<16xf32>
      %mul3A_1045 = arith.mulf %get3A_1031, %sub3A_1044 : vector<16xf32>
      %add3A_1046 = arith.addf %add3A_1025, %mul3A_1045 : vector<16xf32>
      %add3A_1047 = arith.constant 32 : i32
      %add3A_1048 = arith.addi %squeeze3A_998, %add3A_1047 : i32
      %get3A_1049 = arith.constant 10 : i32
      %get3A_1050 = arith.index_cast %get3A_1049 : i32 to index
      %get3A_1051 = arith.index_cast %add3A_1048 : i32 to index
      %get3A_1052 = tpu.vector_load %arg11[%get3A_1050, %get3A_1051] {strides = array<i32>} : memref<16x128xf32, #tpu.memory_space<vmem>>, vector<16xf32>,
      %add3A_1053 = arith.constant 32 : i32
      %add3A_1054 = arith.addi %squeeze3A_1000, %add3A_1053 : i32
      %get3A_1055 = arith.constant 10 : i32
      %get3A_1056 = arith.index_cast %get3A_1055 : i32 to index
      %get3A_1057 = arith.index_cast %add3A_1054 : i32 to index
      %get3A_1058 = tpu.vector_load %arg12[%get3A_1056, %get3A_1057] {strides = array<i32>} : memref<16x128xf32, #tpu.memory_space<vmem>>, vector<16xf32>,
      %add3A_1059 = arith.constant 32 : i32
      %add3A_1060 = arith.addi %squeeze3A_1002, %add3A_1059 : i32
      %get3A_1061 = arith.constant 10 : i32
      %get3A_1062 = arith.index_cast %get3A_1061 : i32 to index
      %get3A_1063 = arith.index_cast %add3A_1060 : i32 to index
      %get3A_1064 = tpu.vector_load %arg13[%get3A_1062, %get3A_1063] {strides = array<i32>} : memref<16x128xf32, #tpu.memory_space<vmem>>, vector<16xf32>,
      %sub3A_1065 = arith.subf %get3A_1058, %get3A_1064 : vector<16xf32>
      %mul3A_1066 = arith.mulf %get3A_1052, %sub3A_1065 : vector<16xf32>
      %add3A_1067 = arith.addf %add3A_1046, %mul3A_1066 : vector<16xf32>
      %add3A_1068 = arith.constant 48 : i32
      %add3A_1069 = arith.addi %squeeze3A_998, %add3A_1068 : i32
      %get3A_1070 = arith.constant 10 : i32
      %get3A_1071 = arith.index_cast %get3A_1070 : i32 to index
      %get3A_1072 = arith.index_cast %add3A_1069 : i32 to index
      %get3A_1073 = tpu.vector_load %arg11[%get3A_1071, %get3A_1072] {strides = array<i32>} : memref<16x128xf32, #tpu.memory_space<vmem>>, vector<16xf32>,
      %add3A_1074 = arith.constant 48 : i32
      %add3A_1075 = arith.addi %squeeze3A_1000, %add3A_1074 : i32
      %get3A_1076 = arith.constant 10 : i32
      %get3A_1077 = arith.index_cast %get3A_1076 : i32 to index
      %get3A_1078 = arith.index_cast %add3A_1075 : i32 to index
      %get3A_1079 = tpu.vector_load %arg12[%get3A_1077, %get3A_1078] {strides = array<i32>} : memref<16x128xf32, #tpu.memory_space<vmem>>, vector<16xf32>,
      %add3A_1080 = arith.constant 48 : i32
      %add3A_1081 = arith.addi %squeeze3A_1002, %add3A_1080 : i32
      %get3A_1082 = arith.constant 10 : i32
      %get3A_1083 = arith.index_cast %get3A_1082 : i32 to index
      %get3A_1084 = arith.index_cast %add3A_1081 : i32 to index
      %get3A_1085 = tpu.vector_load %arg13[%get3A_1083, %get3A_1084] {strides = array<i32>} : memref<16x128xf32, #tpu.memory_space<vmem>>, vector<16xf32>,
      %sub3A_1086 = arith.subf %get3A_1079, %get3A_1085 : vector<16xf32>
      %mul3A_1087 = arith.mulf %get3A_1073, %sub3A_1086 : vector<16xf32>
      %add3A_1088 = arith.addf %add3A_1067, %mul3A_1087 : vector<16xf32>
      %broadcast_in_dim3A_1089 = arith.constant 10 : i32
      %broadcast_in_dim3A_1090 = vector.broadcast %broadcast_in_dim3A_1089 : i32 to vector<16xi32>
      tpu.vector_store_idx %arg14[%iota3A, %broadcast_in_dim3A_1090], %add3A_1088 : memref<16x16xf32, #tpu.memory_space<vmem>>[vector<16xi32>, vector<16xi32>], vector<16xf32>,
      %slice3A_1091 = vector.extract_strided_slice %mul3A_40 {offsets = [11], sizes = [1], strides = [1]} : vector<16xi32> to vector<1xi32>
      %squeeze3A_1092 = vector.extract %slice3A_1091[0] : i32 from vector<1xi32>
      %slice3A_1093 = vector.extract_strided_slice %mul3A_46 {offsets = [11], sizes = [1], strides = [1]} : vector<16xi32> to vector<1xi32>
      %squeeze3A_1094 = vector.extract %slice3A_1093[0] : i32 from vector<1xi32>
      %slice3A_1095 = vector.extract_strided_slice %mul3A_52 {offsets = [11], sizes = [1], strides = [1]} : vector<16xi32> to vector<1xi32>
      %squeeze3A_1096 = vector.extract %slice3A_1095[0] : i32 from vector<1xi32>
      %broadcast_in_dim3A_1097 = arith.constant 0.000000e+00 : f32
      %broadcast_in_dim3A_1098 = vector.broadcast %broadcast_in_dim3A_1097 : f32 to vector<16xf32>
      %add3A_1099 = arith.constant 0 : i32
      %add3A_1100 = arith.addi %squeeze3A_1092, %add3A_1099 : i32
      %get3A_1101 = arith.constant 11 : i32
      %get3A_1102 = arith.index_cast %get3A_1101 : i32 to index
      %get3A_1103 = arith.index_cast %add3A_1100 : i32 to index
      %get3A_1104 = tpu.vector_load %arg11[%get3A_1102, %get3A_1103] {strides = array<i32>} : memref<16x128xf32, #tpu.memory_space<vmem>>, vector<16xf32>,
      %add3A_1105 = arith.constant 0 : i32
      %add3A_1106 = arith.addi %squeeze3A_1094, %add3A_1105 : i32
      %get3A_1107 = arith.constant 11 : i32
      %get3A_1108 = arith.index_cast %get3A_1107 : i32 to index
      %get3A_1109 = arith.index_cast %add3A_1106 : i32 to index
      %get3A_1110 = tpu.vector_load %arg12[%get3A_1108, %get3A_1109] {strides = array<i32>} : memref<16x128xf32, #tpu.memory_space<vmem>>, vector<16xf32>,
      %add3A_1111 = arith.constant 0 : i32
      %add3A_1112 = arith.addi %squeeze3A_1096, %add3A_1111 : i32
      %get3A_1113 = arith.constant 11 : i32
      %get3A_1114 = arith.index_cast %get3A_1113 : i32 to index
      %get3A_1115 = arith.index_cast %add3A_1112 : i32 to index
      %get3A_1116 = tpu.vector_load %arg13[%get3A_1114, %get3A_1115] {strides = array<i32>} : memref<16x128xf32, #tpu.memory_space<vmem>>, vector<16xf32>,
      %sub3A_1117 = arith.subf %get3A_1110, %get3A_1116 : vector<16xf32>
      %mul3A_1118 = arith.mulf %get3A_1104, %sub3A_1117 : vector<16xf32>
      %add3A_1119 = arith.addf %broadcast_in_dim3A_1098, %mul3A_1118 : vector<16xf32>
      %add3A_1120 = arith.constant 16 : i32
      %add3A_1121 = arith.addi %squeeze3A_1092, %add3A_1120 : i32
      %get3A_1122 = arith.constant 11 : i32
      %get3A_1123 = arith.index_cast %get3A_1122 : i32 to index
      %get3A_1124 = arith.index_cast %add3A_1121 : i32 to index
      %get3A_1125 = tpu.vector_load %arg11[%get3A_1123, %get3A_1124] {strides = array<i32>} : memref<16x128xf32, #tpu.memory_space<vmem>>, vector<16xf32>,
      %add3A_1126 = arith.constant 16 : i32
      %add3A_1127 = arith.addi %squeeze3A_1094, %add3A_1126 : i32
      %get3A_1128 = arith.constant 11 : i32
      %get3A_1129 = arith.index_cast %get3A_1128 : i32 to index
      %get3A_1130 = arith.index_cast %add3A_1127 : i32 to index
      %get3A_1131 = tpu.vector_load %arg12[%get3A_1129, %get3A_1130] {strides = array<i32>} : memref<16x128xf32, #tpu.memory_space<vmem>>, vector<16xf32>,
      %add3A_1132 = arith.constant 16 : i32
      %add3A_1133 = arith.addi %squeeze3A_1096, %add3A_1132 : i32
      %get3A_1134 = arith.constant 11 : i32
      %get3A_1135 = arith.index_cast %get3A_1134 : i32 to index
      %get3A_1136 = arith.index_cast %add3A_1133 : i32 to index
      %get3A_1137 = tpu.vector_load %arg13[%get3A_1135, %get3A_1136] {strides = array<i32>} : memref<16x128xf32, #tpu.memory_space<vmem>>, vector<16xf32>,
      %sub3A_1138 = arith.subf %get3A_1131, %get3A_1137 : vector<16xf32>
      %mul3A_1139 = arith.mulf %get3A_1125, %sub3A_1138 : vector<16xf32>
      %add3A_1140 = arith.addf %add3A_1119, %mul3A_1139 : vector<16xf32>
      %add3A_1141 = arith.constant 32 : i32
      %add3A_1142 = arith.addi %squeeze3A_1092, %add3A_1141 : i32
      %get3A_1143 = arith.constant 11 : i32
      %get3A_1144 = arith.index_cast %get3A_1143 : i32 to index
      %get3A_1145 = arith.index_cast %add3A_1142 : i32 to index
      %get3A_1146 = tpu.vector_load %arg11[%get3A_1144, %get3A_1145] {strides = array<i32>} : memref<16x128xf32, #tpu.memory_space<vmem>>, vector<16xf32>,
      %add3A_1147 = arith.constant 32 : i32
      %add3A_1148 = arith.addi %squeeze3A_1094, %add3A_1147 : i32
      %get3A_1149 = arith.constant 11 : i32
      %get3A_1150 = arith.index_cast %get3A_1149 : i32 to index
      %get3A_1151 = arith.index_cast %add3A_1148 : i32 to index
      %get3A_1152 = tpu.vector_load %arg12[%get3A_1150, %get3A_1151] {strides = array<i32>} : memref<16x128xf32, #tpu.memory_space<vmem>>, vector<16xf32>,
      %add3A_1153 = arith.constant 32 : i32
      %add3A_1154 = arith.addi %squeeze3A_1096, %add3A_1153 : i32
      %get3A_1155 = arith.constant 11 : i32
      %get3A_1156 = arith.index_cast %get3A_1155 : i32 to index
      %get3A_1157 = arith.index_cast %add3A_1154 : i32 to index
      %get3A_1158 = tpu.vector_load %arg13[%get3A_1156, %get3A_1157] {strides = array<i32>} : memref<16x128xf32, #tpu.memory_space<vmem>>, vector<16xf32>,
      %sub3A_1159 = arith.subf %get3A_1152, %get3A_1158 : vector<16xf32>
      %mul3A_1160 = arith.mulf %get3A_1146, %sub3A_1159 : vector<16xf32>
      %add3A_1161 = arith.addf %add3A_1140, %mul3A_1160 : vector<16xf32>
      %add3A_1162 = arith.constant 48 : i32
      %add3A_1163 = arith.addi %squeeze3A_1092, %add3A_1162 : i32
      %get3A_1164 = arith.constant 11 : i32
      %get3A_1165 = arith.index_cast %get3A_1164 : i32 to index
      %get3A_1166 = arith.index_cast %add3A_1163 : i32 to index
      %get3A_1167 = tpu.vector_load %arg11[%get3A_1165, %get3A_1166] {strides = array<i32>} : memref<16x128xf32, #tpu.memory_space<vmem>>, vector<16xf32>,
      %add3A_1168 = arith.constant 48 : i32
      %add3A_1169 = arith.addi %squeeze3A_1094, %add3A_1168 : i32
      %get3A_1170 = arith.constant 11 : i32
      %get3A_1171 = arith.index_cast %get3A_1170 : i32 to index
      %get3A_1172 = arith.index_cast %add3A_1169 : i32 to index
      %get3A_1173 = tpu.vector_load %arg12[%get3A_1171, %get3A_1172] {strides = array<i32>} : memref<16x128xf32, #tpu.memory_space<vmem>>, vector<16xf32>,
      %add3A_1174 = arith.constant 48 : i32
      %add3A_1175 = arith.addi %squeeze3A_1096, %add3A_1174 : i32
      %get3A_1176 = arith.constant 11 : i32
      %get3A_1177 = arith.index_cast %get3A_1176 : i32 to index
      %get3A_1178 = arith.index_cast %add3A_1175 : i32 to index
      %get3A_1179 = tpu.vector_load %arg13[%get3A_1177, %get3A_1178] {strides = array<i32>} : memref<16x128xf32, #tpu.memory_space<vmem>>, vector<16xf32>,
      %sub3A_1180 = arith.subf %get3A_1173, %get3A_1179 : vector<16xf32>
      %mul3A_1181 = arith.mulf %get3A_1167, %sub3A_1180 : vector<16xf32>
      %add3A_1182 = arith.addf %add3A_1161, %mul3A_1181 : vector<16xf32>
      %broadcast_in_dim3A_1183 = arith.constant 11 : i32
      %broadcast_in_dim3A_1184 = vector.broadcast %broadcast_in_dim3A_1183 : i32 to vector<16xi32>
      tpu.vector_store_idx %arg14[%iota3A, %broadcast_in_dim3A_1184], %add3A_1182 : memref<16x16xf32, #tpu.memory_space<vmem>>[vector<16xi32>, vector<16xi32>], vector<16xf32>,
      %slice3A_1185 = vector.extract_strided_slice %mul3A_40 {offsets = [12], sizes = [1], strides = [1]} : vector<16xi32> to vector<1xi32>
      %squeeze3A_1186 = vector.extract %slice3A_1185[0] : i32 from vector<1xi32>
      %slice3A_1187 = vector.extract_strided_slice %mul3A_46 {offsets = [12], sizes = [1], strides = [1]} : vector<16xi32> to vector<1xi32>
      %squeeze3A_1188 = vector.extract %slice3A_1187[0] : i32 from vector<1xi32>
      %slice3A_1189 = vector.extract_strided_slice %mul3A_52 {offsets = [12], sizes = [1], strides = [1]} : vector<16xi32> to vector<1xi32>
      %squeeze3A_1190 = vector.extract %slice3A_1189[0] : i32 from vector<1xi32>
      %broadcast_in_dim3A_1191 = arith.constant 0.000000e+00 : f32
      %broadcast_in_dim3A_1192 = vector.broadcast %broadcast_in_dim3A_1191 : f32 to vector<16xf32>
      %add3A_1193 = arith.constant 0 : i32
      %add3A_1194 = arith.addi %squeeze3A_1186, %add3A_1193 : i32
      %get3A_1195 = arith.constant 12 : i32
      %get3A_1196 = arith.index_cast %get3A_1195 : i32 to index
      %get3A_1197 = arith.index_cast %add3A_1194 : i32 to index
      %get3A_1198 = tpu.vector_load %arg11[%get3A_1196, %get3A_1197] {strides = array<i32>} : memref<16x128xf32, #tpu.memory_space<vmem>>, vector<16xf32>,
      %add3A_1199 = arith.constant 0 : i32
      %add3A_1200 = arith.addi %squeeze3A_1188, %add3A_1199 : i32
      %get3A_1201 = arith.constant 12 : i32
      %get3A_1202 = arith.index_cast %get3A_1201 : i32 to index
      %get3A_1203 = arith.index_cast %add3A_1200 : i32 to index
      %get3A_1204 = tpu.vector_load %arg12[%get3A_1202, %get3A_1203] {strides = array<i32>} : memref<16x128xf32, #tpu.memory_space<vmem>>, vector<16xf32>,
      %add3A_1205 = arith.constant 0 : i32
      %add3A_1206 = arith.addi %squeeze3A_1190, %add3A_1205 : i32
      %get3A_1207 = arith.constant 12 : i32
      %get3A_1208 = arith.index_cast %get3A_1207 : i32 to index
      %get3A_1209 = arith.index_cast %add3A_1206 : i32 to index
      %get3A_1210 = tpu.vector_load %arg13[%get3A_1208, %get3A_1209] {strides = array<i32>} : memref<16x128xf32, #tpu.memory_space<vmem>>, vector<16xf32>,
      %sub3A_1211 = arith.subf %get3A_1204, %get3A_1210 : vector<16xf32>
      %mul3A_1212 = arith.mulf %get3A_1198, %sub3A_1211 : vector<16xf32>
      %add3A_1213 = arith.addf %broadcast_in_dim3A_1192, %mul3A_1212 : vector<16xf32>
      %add3A_1214 = arith.constant 16 : i32
      %add3A_1215 = arith.addi %squeeze3A_1186, %add3A_1214 : i32
      %get3A_1216 = arith.constant 12 : i32
      %get3A_1217 = arith.index_cast %get3A_1216 : i32 to index
      %get3A_1218 = arith.index_cast %add3A_1215 : i32 to index
      %get3A_1219 = tpu.vector_load %arg11[%get3A_1217, %get3A_1218] {strides = array<i32>} : memref<16x128xf32, #tpu.memory_space<vmem>>, vector<16xf32>,
      %add3A_1220 = arith.constant 16 : i32
      %add3A_1221 = arith.addi %squeeze3A_1188, %add3A_1220 : i32
      %get3A_1222 = arith.constant 12 : i32
      %get3A_1223 = arith.index_cast %get3A_1222 : i32 to index
      %get3A_1224 = arith.index_cast %add3A_1221 : i32 to index
      %get3A_1225 = tpu.vector_load %arg12[%get3A_1223, %get3A_1224] {strides = array<i32>} : memref<16x128xf32, #tpu.memory_space<vmem>>, vector<16xf32>,
      %add3A_1226 = arith.constant 16 : i32
      %add3A_1227 = arith.addi %squeeze3A_1190, %add3A_1226 : i32
      %get3A_1228 = arith.constant 12 : i32
      %get3A_1229 = arith.index_cast %get3A_1228 : i32 to index
      %get3A_1230 = arith.index_cast %add3A_1227 : i32 to index
      %get3A_1231 = tpu.vector_load %arg13[%get3A_1229, %get3A_1230] {strides = array<i32>} : memref<16x128xf32, #tpu.memory_space<vmem>>, vector<16xf32>,
      %sub3A_1232 = arith.subf %get3A_1225, %get3A_1231 : vector<16xf32>
      %mul3A_1233 = arith.mulf %get3A_1219, %sub3A_1232 : vector<16xf32>
      %add3A_1234 = arith.addf %add3A_1213, %mul3A_1233 : vector<16xf32>
      %add3A_1235 = arith.constant 32 : i32
      %add3A_1236 = arith.addi %squeeze3A_1186, %add3A_1235 : i32
      %get3A_1237 = arith.constant 12 : i32
      %get3A_1238 = arith.index_cast %get3A_1237 : i32 to index
      %get3A_1239 = arith.index_cast %add3A_1236 : i32 to index
      %get3A_1240 = tpu.vector_load %arg11[%get3A_1238, %get3A_1239] {strides = array<i32>} : memref<16x128xf32, #tpu.memory_space<vmem>>, vector<16xf32>,
      %add3A_1241 = arith.constant 32 : i32
      %add3A_1242 = arith.addi %squeeze3A_1188, %add3A_1241 : i32
      %get3A_1243 = arith.constant 12 : i32
      %get3A_1244 = arith.index_cast %get3A_1243 : i32 to index
      %get3A_1245 = arith.index_cast %add3A_1242 : i32 to index
      %get3A_1246 = tpu.vector_load %arg12[%get3A_1244, %get3A_1245] {strides = array<i32>} : memref<16x128xf32, #tpu.memory_space<vmem>>, vector<16xf32>,
      %add3A_1247 = arith.constant 32 : i32
      %add3A_1248 = arith.addi %squeeze3A_1190, %add3A_1247 : i32
      %get3A_1249 = arith.constant 12 : i32
      %get3A_1250 = arith.index_cast %get3A_1249 : i32 to index
      %get3A_1251 = arith.index_cast %add3A_1248 : i32 to index
      %get3A_1252 = tpu.vector_load %arg13[%get3A_1250, %get3A_1251] {strides = array<i32>} : memref<16x128xf32, #tpu.memory_space<vmem>>, vector<16xf32>,
      %sub3A_1253 = arith.subf %get3A_1246, %get3A_1252 : vector<16xf32>
      %mul3A_1254 = arith.mulf %get3A_1240, %sub3A_1253 : vector<16xf32>
      %add3A_1255 = arith.addf %add3A_1234, %mul3A_1254 : vector<16xf32>
      %add3A_1256 = arith.constant 48 : i32
      %add3A_1257 = arith.addi %squeeze3A_1186, %add3A_1256 : i32
      %get3A_1258 = arith.constant 12 : i32
      %get3A_1259 = arith.index_cast %get3A_1258 : i32 to index
      %get3A_1260 = arith.index_cast %add3A_1257 : i32 to index
      %get3A_1261 = tpu.vector_load %arg11[%get3A_1259, %get3A_1260] {strides = array<i32>} : memref<16x128xf32, #tpu.memory_space<vmem>>, vector<16xf32>,
      %add3A_1262 = arith.constant 48 : i32
      %add3A_1263 = arith.addi %squeeze3A_1188, %add3A_1262 : i32
      %get3A_1264 = arith.constant 12 : i32
      %get3A_1265 = arith.index_cast %get3A_1264 : i32 to index
      %get3A_1266 = arith.index_cast %add3A_1263 : i32 to index
      %get3A_1267 = tpu.vector_load %arg12[%get3A_1265, %get3A_1266] {strides = array<i32>} : memref<16x128xf32, #tpu.memory_space<vmem>>, vector<16xf32>,
      %add3A_1268 = arith.constant 48 : i32
      %add3A_1269 = arith.addi %squeeze3A_1190, %add3A_1268 : i32
      %get3A_1270 = arith.constant 12 : i32
      %get3A_1271 = arith.index_cast %get3A_1270 : i32 to index
      %get3A_1272 = arith.index_cast %add3A_1269 : i32 to index
      %get3A_1273 = tpu.vector_load %arg13[%get3A_1271, %get3A_1272] {strides = array<i32>} : memref<16x128xf32, #tpu.memory_space<vmem>>, vector<16xf32>,
      %sub3A_1274 = arith.subf %get3A_1267, %get3A_1273 : vector<16xf32>
      %mul3A_1275 = arith.mulf %get3A_1261, %sub3A_1274 : vector<16xf32>
      %add3A_1276 = arith.addf %add3A_1255, %mul3A_1275 : vector<16xf32>
      %broadcast_in_dim3A_1277 = arith.constant 12 : i32
      %broadcast_in_dim3A_1278 = vector.broadcast %broadcast_in_dim3A_1277 : i32 to vector<16xi32>
      tpu.vector_store_idx %arg14[%iota3A, %broadcast_in_dim3A_1278], %add3A_1276 : memref<16x16xf32, #tpu.memory_space<vmem>>[vector<16xi32>, vector<16xi32>], vector<16xf32>,
      %slice3A_1279 = vector.extract_strided_slice %mul3A_40 {offsets = [13], sizes = [1], strides = [1]} : vector<16xi32> to vector<1xi32>
      %squeeze3A_1280 = vector.extract %slice3A_1279[0] : i32 from vector<1xi32>
      %slice3A_1281 = vector.extract_strided_slice %mul3A_46 {offsets = [13], sizes = [1], strides = [1]} : vector<16xi32> to vector<1xi32>
      %squeeze3A_1282 = vector.extract %slice3A_1281[0] : i32 from vector<1xi32>
      %slice3A_1283 = vector.extract_strided_slice %mul3A_52 {offsets = [13], sizes = [1], strides = [1]} : vector<16xi32> to vector<1xi32>
      %squeeze3A_1284 = vector.extract %slice3A_1283[0] : i32 from vector<1xi32>
      %broadcast_in_dim3A_1285 = arith.constant 0.000000e+00 : f32
      %broadcast_in_dim3A_1286 = vector.broadcast %broadcast_in_dim3A_1285 : f32 to vector<16xf32>
      %add3A_1287 = arith.constant 0 : i32
      %add3A_1288 = arith.addi %squeeze3A_1280, %add3A_1287 : i32
      %get3A_1289 = arith.constant 13 : i32
      %get3A_1290 = arith.index_cast %get3A_1289 : i32 to index
      %get3A_1291 = arith.index_cast %add3A_1288 : i32 to index
      %get3A_1292 = tpu.vector_load %arg11[%get3A_1290, %get3A_1291] {strides = array<i32>} : memref<16x128xf32, #tpu.memory_space<vmem>>, vector<16xf32>,
      %add3A_1293 = arith.constant 0 : i32
      %add3A_1294 = arith.addi %squeeze3A_1282, %add3A_1293 : i32
      %get3A_1295 = arith.constant 13 : i32
      %get3A_1296 = arith.index_cast %get3A_1295 : i32 to index
      %get3A_1297 = arith.index_cast %add3A_1294 : i32 to index
      %get3A_1298 = tpu.vector_load %arg12[%get3A_1296, %get3A_1297] {strides = array<i32>} : memref<16x128xf32, #tpu.memory_space<vmem>>, vector<16xf32>,
      %add3A_1299 = arith.constant 0 : i32
      %add3A_1300 = arith.addi %squeeze3A_1284, %add3A_1299 : i32
      %get3A_1301 = arith.constant 13 : i32
      %get3A_1302 = arith.index_cast %get3A_1301 : i32 to index
      %get3A_1303 = arith.index_cast %add3A_1300 : i32 to index
      %get3A_1304 = tpu.vector_load %arg13[%get3A_1302, %get3A_1303] {strides = array<i32>} : memref<16x128xf32, #tpu.memory_space<vmem>>, vector<16xf32>,
      %sub3A_1305 = arith.subf %get3A_1298, %get3A_1304 : vector<16xf32>
      %mul3A_1306 = arith.mulf %get3A_1292, %sub3A_1305 : vector<16xf32>
      %add3A_1307 = arith.addf %broadcast_in_dim3A_1286, %mul3A_1306 : vector<16xf32>
      %add3A_1308 = arith.constant 16 : i32
      %add3A_1309 = arith.addi %squeeze3A_1280, %add3A_1308 : i32
      %get3A_1310 = arith.constant 13 : i32
      %get3A_1311 = arith.index_cast %get3A_1310 : i32 to index
      %get3A_1312 = arith.index_cast %add3A_1309 : i32 to index
      %get3A_1313 = tpu.vector_load %arg11[%get3A_1311, %get3A_1312] {strides = array<i32>} : memref<16x128xf32, #tpu.memory_space<vmem>>, vector<16xf32>,
      %add3A_1314 = arith.constant 16 : i32
      %add3A_1315 = arith.addi %squeeze3A_1282, %add3A_1314 : i32
      %get3A_1316 = arith.constant 13 : i32
      %get3A_1317 = arith.index_cast %get3A_1316 : i32 to index
      %get3A_1318 = arith.index_cast %add3A_1315 : i32 to index
      %get3A_1319 = tpu.vector_load %arg12[%get3A_1317, %get3A_1318] {strides = array<i32>} : memref<16x128xf32, #tpu.memory_space<vmem>>, vector<16xf32>,
      %add3A_1320 = arith.constant 16 : i32
      %add3A_1321 = arith.addi %squeeze3A_1284, %add3A_1320 : i32
      %get3A_1322 = arith.constant 13 : i32
      %get3A_1323 = arith.index_cast %get3A_1322 : i32 to index
      %get3A_1324 = arith.index_cast %add3A_1321 : i32 to index
      %get3A_1325 = tpu.vector_load %arg13[%get3A_1323, %get3A_1324] {strides = array<i32>} : memref<16x128xf32, #tpu.memory_space<vmem>>, vector<16xf32>,
      %sub3A_1326 = arith.subf %get3A_1319, %get3A_1325 : vector<16xf32>
      %mul3A_1327 = arith.mulf %get3A_1313, %sub3A_1326 : vector<16xf32>
      %add3A_1328 = arith.addf %add3A_1307, %mul3A_1327 : vector<16xf32>
      %add3A_1329 = arith.constant 32 : i32
      %add3A_1330 = arith.addi %squeeze3A_1280, %add3A_1329 : i32
      %get3A_1331 = arith.constant 13 : i32
      %get3A_1332 = arith.index_cast %get3A_1331 : i32 to index
      %get3A_1333 = arith.index_cast %add3A_1330 : i32 to index
      %get3A_1334 = tpu.vector_load %arg11[%get3A_1332, %get3A_1333] {strides = array<i32>} : memref<16x128xf32, #tpu.memory_space<vmem>>, vector<16xf32>,
      %add3A_1335 = arith.constant 32 : i32
      %add3A_1336 = arith.addi %squeeze3A_1282, %add3A_1335 : i32
      %get3A_1337 = arith.constant 13 : i32
      %get3A_1338 = arith.index_cast %get3A_1337 : i32 to index
      %get3A_1339 = arith.index_cast %add3A_1336 : i32 to index
      %get3A_1340 = tpu.vector_load %arg12[%get3A_1338, %get3A_1339] {strides = array<i32>} : memref<16x128xf32, #tpu.memory_space<vmem>>, vector<16xf32>,
      %add3A_1341 = arith.constant 32 : i32
      %add3A_1342 = arith.addi %squeeze3A_1284, %add3A_1341 : i32
      %get3A_1343 = arith.constant 13 : i32
      %get3A_1344 = arith.index_cast %get3A_1343 : i32 to index
      %get3A_1345 = arith.index_cast %add3A_1342 : i32 to index
      %get3A_1346 = tpu.vector_load %arg13[%get3A_1344, %get3A_1345] {strides = array<i32>} : memref<16x128xf32, #tpu.memory_space<vmem>>, vector<16xf32>,
      %sub3A_1347 = arith.subf %get3A_1340, %get3A_1346 : vector<16xf32>
      %mul3A_1348 = arith.mulf %get3A_1334, %sub3A_1347 : vector<16xf32>
      %add3A_1349 = arith.addf %add3A_1328, %mul3A_1348 : vector<16xf32>
      %add3A_1350 = arith.constant 48 : i32
      %add3A_1351 = arith.addi %squeeze3A_1280, %add3A_1350 : i32
      %get3A_1352 = arith.constant 13 : i32
      %get3A_1353 = arith.index_cast %get3A_1352 : i32 to index
      %get3A_1354 = arith.index_cast %add3A_1351 : i32 to index
      %get3A_1355 = tpu.vector_load %arg11[%get3A_1353, %get3A_1354] {strides = array<i32>} : memref<16x128xf32, #tpu.memory_space<vmem>>, vector<16xf32>,
      %add3A_1356 = arith.constant 48 : i32
      %add3A_1357 = arith.addi %squeeze3A_1282, %add3A_1356 : i32
      %get3A_1358 = arith.constant 13 : i32
      %get3A_1359 = arith.index_cast %get3A_1358 : i32 to index
      %get3A_1360 = arith.index_cast %add3A_1357 : i32 to index
      %get3A_1361 = tpu.vector_load %arg12[%get3A_1359, %get3A_1360] {strides = array<i32>} : memref<16x128xf32, #tpu.memory_space<vmem>>, vector<16xf32>,
      %add3A_1362 = arith.constant 48 : i32
      %add3A_1363 = arith.addi %squeeze3A_1284, %add3A_1362 : i32
      %get3A_1364 = arith.constant 13 : i32
      %get3A_1365 = arith.index_cast %get3A_1364 : i32 to index
      %get3A_1366 = arith.index_cast %add3A_1363 : i32 to index
      %get3A_1367 = tpu.vector_load %arg13[%get3A_1365, %get3A_1366] {strides = array<i32>} : memref<16x128xf32, #tpu.memory_space<vmem>>, vector<16xf32>,
      %sub3A_1368 = arith.subf %get3A_1361, %get3A_1367 : vector<16xf32>
      %mul3A_1369 = arith.mulf %get3A_1355, %sub3A_1368 : vector<16xf32>
      %add3A_1370 = arith.addf %add3A_1349, %mul3A_1369 : vector<16xf32>
      %broadcast_in_dim3A_1371 = arith.constant 13 : i32
      %broadcast_in_dim3A_1372 = vector.broadcast %broadcast_in_dim3A_1371 : i32 to vector<16xi32>
      tpu.vector_store_idx %arg14[%iota3A, %broadcast_in_dim3A_1372], %add3A_1370 : memref<16x16xf32, #tpu.memory_space<vmem>>[vector<16xi32>, vector<16xi32>], vector<16xf32>,
      %slice3A_1373 = vector.extract_strided_slice %mul3A_40 {offsets = [14], sizes = [1], strides = [1]} : vector<16xi32> to vector<1xi32>
      %squeeze3A_1374 = vector.extract %slice3A_1373[0] : i32 from vector<1xi32>
      %slice3A_1375 = vector.extract_strided_slice %mul3A_46 {offsets = [14], sizes = [1], strides = [1]} : vector<16xi32> to vector<1xi32>
      %squeeze3A_1376 = vector.extract %slice3A_1375[0] : i32 from vector<1xi32>
      %slice3A_1377 = vector.extract_strided_slice %mul3A_52 {offsets = [14], sizes = [1], strides = [1]} : vector<16xi32> to vector<1xi32>
      %squeeze3A_1378 = vector.extract %slice3A_1377[0] : i32 from vector<1xi32>
      %broadcast_in_dim3A_1379 = arith.constant 0.000000e+00 : f32
      %broadcast_in_dim3A_1380 = vector.broadcast %broadcast_in_dim3A_1379 : f32 to vector<16xf32>
      %add3A_1381 = arith.constant 0 : i32
      %add3A_1382 = arith.addi %squeeze3A_1374, %add3A_1381 : i32
      %get3A_1383 = arith.constant 14 : i32
      %get3A_1384 = arith.index_cast %get3A_1383 : i32 to index
      %get3A_1385 = arith.index_cast %add3A_1382 : i32 to index
      %get3A_1386 = tpu.vector_load %arg11[%get3A_1384, %get3A_1385] {strides = array<i32>} : memref<16x128xf32, #tpu.memory_space<vmem>>, vector<16xf32>,
      %add3A_1387 = arith.constant 0 : i32
      %add3A_1388 = arith.addi %squeeze3A_1376, %add3A_1387 : i32
      %get3A_1389 = arith.constant 14 : i32
      %get3A_1390 = arith.index_cast %get3A_1389 : i32 to index
      %get3A_1391 = arith.index_cast %add3A_1388 : i32 to index
      %get3A_1392 = tpu.vector_load %arg12[%get3A_1390, %get3A_1391] {strides = array<i32>} : memref<16x128xf32, #tpu.memory_space<vmem>>, vector<16xf32>,
      %add3A_1393 = arith.constant 0 : i32
      %add3A_1394 = arith.addi %squeeze3A_1378, %add3A_1393 : i32
      %get3A_1395 = arith.constant 14 : i32
      %get3A_1396 = arith.index_cast %get3A_1395 : i32 to index
      %get3A_1397 = arith.index_cast %add3A_1394 : i32 to index
      %get3A_1398 = tpu.vector_load %arg13[%get3A_1396, %get3A_1397] {strides = array<i32>} : memref<16x128xf32, #tpu.memory_space<vmem>>, vector<16xf32>,
      %sub3A_1399 = arith.subf %get3A_1392, %get3A_1398 : vector<16xf32>
      %mul3A_1400 = arith.mulf %get3A_1386, %sub3A_1399 : vector<16xf32>
      %add3A_1401 = arith.addf %broadcast_in_dim3A_1380, %mul3A_1400 : vector<16xf32>
      %add3A_1402 = arith.constant 16 : i32
      %add3A_1403 = arith.addi %squeeze3A_1374, %add3A_1402 : i32
      %get3A_1404 = arith.constant 14 : i32
      %get3A_1405 = arith.index_cast %get3A_1404 : i32 to index
      %get3A_1406 = arith.index_cast %add3A_1403 : i32 to index
      %get3A_1407 = tpu.vector_load %arg11[%get3A_1405, %get3A_1406] {strides = array<i32>} : memref<16x128xf32, #tpu.memory_space<vmem>>, vector<16xf32>,
      %add3A_1408 = arith.constant 16 : i32
      %add3A_1409 = arith.addi %squeeze3A_1376, %add3A_1408 : i32
      %get3A_1410 = arith.constant 14 : i32
      %get3A_1411 = arith.index_cast %get3A_1410 : i32 to index
      %get3A_1412 = arith.index_cast %add3A_1409 : i32 to index
      %get3A_1413 = tpu.vector_load %arg12[%get3A_1411, %get3A_1412] {strides = array<i32>} : memref<16x128xf32, #tpu.memory_space<vmem>>, vector<16xf32>,
      %add3A_1414 = arith.constant 16 : i32
      %add3A_1415 = arith.addi %squeeze3A_1378, %add3A_1414 : i32
      %get3A_1416 = arith.constant 14 : i32
      %get3A_1417 = arith.index_cast %get3A_1416 : i32 to index
      %get3A_1418 = arith.index_cast %add3A_1415 : i32 to index
      %get3A_1419 = tpu.vector_load %arg13[%get3A_1417, %get3A_1418] {strides = array<i32>} : memref<16x128xf32, #tpu.memory_space<vmem>>, vector<16xf32>,
      %sub3A_1420 = arith.subf %get3A_1413, %get3A_1419 : vector<16xf32>
      %mul3A_1421 = arith.mulf %get3A_1407, %sub3A_1420 : vector<16xf32>
      %add3A_1422 = arith.addf %add3A_1401, %mul3A_1421 : vector<16xf32>
      %add3A_1423 = arith.constant 32 : i32
      %add3A_1424 = arith.addi %squeeze3A_1374, %add3A_1423 : i32
      %get3A_1425 = arith.constant 14 : i32
      %get3A_1426 = arith.index_cast %get3A_1425 : i32 to index
      %get3A_1427 = arith.index_cast %add3A_1424 : i32 to index
      %get3A_1428 = tpu.vector_load %arg11[%get3A_1426, %get3A_1427] {strides = array<i32>} : memref<16x128xf32, #tpu.memory_space<vmem>>, vector<16xf32>,
      %add3A_1429 = arith.constant 32 : i32
      %add3A_1430 = arith.addi %squeeze3A_1376, %add3A_1429 : i32
      %get3A_1431 = arith.constant 14 : i32
      %get3A_1432 = arith.index_cast %get3A_1431 : i32 to index
      %get3A_1433 = arith.index_cast %add3A_1430 : i32 to index
      %get3A_1434 = tpu.vector_load %arg12[%get3A_1432, %get3A_1433] {strides = array<i32>} : memref<16x128xf32, #tpu.memory_space<vmem>>, vector<16xf32>,
      %add3A_1435 = arith.constant 32 : i32
      %add3A_1436 = arith.addi %squeeze3A_1378, %add3A_1435 : i32
      %get3A_1437 = arith.constant 14 : i32
      %get3A_1438 = arith.index_cast %get3A_1437 : i32 to index
      %get3A_1439 = arith.index_cast %add3A_1436 : i32 to index
      %get3A_1440 = tpu.vector_load %arg13[%get3A_1438, %get3A_1439] {strides = array<i32>} : memref<16x128xf32, #tpu.memory_space<vmem>>, vector<16xf32>,
      %sub3A_1441 = arith.subf %get3A_1434, %get3A_1440 : vector<16xf32>
      %mul3A_1442 = arith.mulf %get3A_1428, %sub3A_1441 : vector<16xf32>
      %add3A_1443 = arith.addf %add3A_1422, %mul3A_1442 : vector<16xf32>
      %add3A_1444 = arith.constant 48 : i32
      %add3A_1445 = arith.addi %squeeze3A_1374, %add3A_1444 : i32
      %get3A_1446 = arith.constant 14 : i32
      %get3A_1447 = arith.index_cast %get3A_1446 : i32 to index
      %get3A_1448 = arith.index_cast %add3A_1445 : i32 to index
      %get3A_1449 = tpu.vector_load %arg11[%get3A_1447, %get3A_1448] {strides = array<i32>} : memref<16x128xf32, #tpu.memory_space<vmem>>, vector<16xf32>,
      %add3A_1450 = arith.constant 48 : i32
      %add3A_1451 = arith.addi %squeeze3A_1376, %add3A_1450 : i32
      %get3A_1452 = arith.constant 14 : i32
      %get3A_1453 = arith.index_cast %get3A_1452 : i32 to index
      %get3A_1454 = arith.index_cast %add3A_1451 : i32 to index
      %get3A_1455 = tpu.vector_load %arg12[%get3A_1453, %get3A_1454] {strides = array<i32>} : memref<16x128xf32, #tpu.memory_space<vmem>>, vector<16xf32>,
      %add3A_1456 = arith.constant 48 : i32
      %add3A_1457 = arith.addi %squeeze3A_1378, %add3A_1456 : i32
      %get3A_1458 = arith.constant 14 : i32
      %get3A_1459 = arith.index_cast %get3A_1458 : i32 to index
      %get3A_1460 = arith.index_cast %add3A_1457 : i32 to index
      %get3A_1461 = tpu.vector_load %arg13[%get3A_1459, %get3A_1460] {strides = array<i32>} : memref<16x128xf32, #tpu.memory_space<vmem>>, vector<16xf32>,
      %sub3A_1462 = arith.subf %get3A_1455, %get3A_1461 : vector<16xf32>
      %mul3A_1463 = arith.mulf %get3A_1449, %sub3A_1462 : vector<16xf32>
      %add3A_1464 = arith.addf %add3A_1443, %mul3A_1463 : vector<16xf32>
      %broadcast_in_dim3A_1465 = arith.constant 14 : i32
      %broadcast_in_dim3A_1466 = vector.broadcast %broadcast_in_dim3A_1465 : i32 to vector<16xi32>
      tpu.vector_store_idx %arg14[%iota3A, %broadcast_in_dim3A_1466], %add3A_1464 : memref<16x16xf32, #tpu.memory_space<vmem>>[vector<16xi32>, vector<16xi32>], vector<16xf32>,
      %slice3A_1467 = vector.extract_strided_slice %mul3A_40 {offsets = [15], sizes = [1], strides = [1]} : vector<16xi32> to vector<1xi32>
      %squeeze3A_1468 = vector.extract %slice3A_1467[0] : i32 from vector<1xi32>
      %slice3A_1469 = vector.extract_strided_slice %mul3A_46 {offsets = [15], sizes = [1], strides = [1]} : vector<16xi32> to vector<1xi32>
      %squeeze3A_1470 = vector.extract %slice3A_1469[0] : i32 from vector<1xi32>
      %slice3A_1471 = vector.extract_strided_slice %mul3A_52 {offsets = [15], sizes = [1], strides = [1]} : vector<16xi32> to vector<1xi32>
      %squeeze3A_1472 = vector.extract %slice3A_1471[0] : i32 from vector<1xi32>
      %broadcast_in_dim3A_1473 = arith.constant 0.000000e+00 : f32
      %broadcast_in_dim3A_1474 = vector.broadcast %broadcast_in_dim3A_1473 : f32 to vector<16xf32>
      %add3A_1475 = arith.constant 0 : i32
      %add3A_1476 = arith.addi %squeeze3A_1468, %add3A_1475 : i32
      %get3A_1477 = arith.constant 15 : i32
      %get3A_1478 = arith.index_cast %get3A_1477 : i32 to index
      %get3A_1479 = arith.index_cast %add3A_1476 : i32 to index
      %get3A_1480 = tpu.vector_load %arg11[%get3A_1478, %get3A_1479] {strides = array<i32>} : memref<16x128xf32, #tpu.memory_space<vmem>>, vector<16xf32>,
      %add3A_1481 = arith.constant 0 : i32
      %add3A_1482 = arith.addi %squeeze3A_1470, %add3A_1481 : i32
      %get3A_1483 = arith.constant 15 : i32
      %get3A_1484 = arith.index_cast %get3A_1483 : i32 to index
      %get3A_1485 = arith.index_cast %add3A_1482 : i32 to index
      %get3A_1486 = tpu.vector_load %arg12[%get3A_1484, %get3A_1485] {strides = array<i32>} : memref<16x128xf32, #tpu.memory_space<vmem>>, vector<16xf32>,
      %add3A_1487 = arith.constant 0 : i32
      %add3A_1488 = arith.addi %squeeze3A_1472, %add3A_1487 : i32
      %get3A_1489 = arith.constant 15 : i32
      %get3A_1490 = arith.index_cast %get3A_1489 : i32 to index
      %get3A_1491 = arith.index_cast %add3A_1488 : i32 to index
      %get3A_1492 = tpu.vector_load %arg13[%get3A_1490, %get3A_1491] {strides = array<i32>} : memref<16x128xf32, #tpu.memory_space<vmem>>, vector<16xf32>,
      %sub3A_1493 = arith.subf %get3A_1486, %get3A_1492 : vector<16xf32>
      %mul3A_1494 = arith.mulf %get3A_1480, %sub3A_1493 : vector<16xf32>
      %add3A_1495 = arith.addf %broadcast_in_dim3A_1474, %mul3A_1494 : vector<16xf32>
      %add3A_1496 = arith.constant 16 : i32
      %add3A_1497 = arith.addi %squeeze3A_1468, %add3A_1496 : i32
      %get3A_1498 = arith.constant 15 : i32
      %get3A_1499 = arith.index_cast %get3A_1498 : i32 to index
      %get3A_1500 = arith.index_cast %add3A_1497 : i32 to index
      %get3A_1501 = tpu.vector_load %arg11[%get3A_1499, %get3A_1500] {strides = array<i32>} : memref<16x128xf32, #tpu.memory_space<vmem>>, vector<16xf32>,
      %add3A_1502 = arith.constant 16 : i32
      %add3A_1503 = arith.addi %squeeze3A_1470, %add3A_1502 : i32
      %get3A_1504 = arith.constant 15 : i32
      %get3A_1505 = arith.index_cast %get3A_1504 : i32 to index
      %get3A_1506 = arith.index_cast %add3A_1503 : i32 to index
      %get3A_1507 = tpu.vector_load %arg12[%get3A_1505, %get3A_1506] {strides = array<i32>} : memref<16x128xf32, #tpu.memory_space<vmem>>, vector<16xf32>,
      %add3A_1508 = arith.constant 16 : i32
      %add3A_1509 = arith.addi %squeeze3A_1472, %add3A_1508 : i32
      %get3A_1510 = arith.constant 15 : i32
      %get3A_1511 = arith.index_cast %get3A_1510 : i32 to index
      %get3A_1512 = arith.index_cast %add3A_1509 : i32 to index
      %get3A_1513 = tpu.vector_load %arg13[%get3A_1511, %get3A_1512] {strides = array<i32>} : memref<16x128xf32, #tpu.memory_space<vmem>>, vector<16xf32>,
      %sub3A_1514 = arith.subf %get3A_1507, %get3A_1513 : vector<16xf32>
      %mul3A_1515 = arith.mulf %get3A_1501, %sub3A_1514 : vector<16xf32>
      %add3A_1516 = arith.addf %add3A_1495, %mul3A_1515 : vector<16xf32>
      %add3A_1517 = arith.constant 32 : i32
      %add3A_1518 = arith.addi %squeeze3A_1468, %add3A_1517 : i32
      %get3A_1519 = arith.constant 15 : i32
      %get3A_1520 = arith.index_cast %get3A_1519 : i32 to index
      %get3A_1521 = arith.index_cast %add3A_1518 : i32 to index
      %get3A_1522 = tpu.vector_load %arg11[%get3A_1520, %get3A_1521] {strides = array<i32>} : memref<16x128xf32, #tpu.memory_space<vmem>>, vector<16xf32>,
      %add3A_1523 = arith.constant 32 : i32
      %add3A_1524 = arith.addi %squeeze3A_1470, %add3A_1523 : i32
      %get3A_1525 = arith.constant 15 : i32
      %get3A_1526 = arith.index_cast %get3A_1525 : i32 to index
      %get3A_1527 = arith.index_cast %add3A_1524 : i32 to index
      %get3A_1528 = tpu.vector_load %arg12[%get3A_1526, %get3A_1527] {strides = array<i32>} : memref<16x128xf32, #tpu.memory_space<vmem>>, vector<16xf32>,
      %add3A_1529 = arith.constant 32 : i32
      %add3A_1530 = arith.addi %squeeze3A_1472, %add3A_1529 : i32
      %get3A_1531 = arith.constant 15 : i32
      %get3A_1532 = arith.index_cast %get3A_1531 : i32 to index
      %get3A_1533 = arith.index_cast %add3A_1530 : i32 to index
      %get3A_1534 = tpu.vector_load %arg13[%get3A_1532, %get3A_1533] {strides = array<i32>} : memref<16x128xf32, #tpu.memory_space<vmem>>, vector<16xf32>,
      %sub3A_1535 = arith.subf %get3A_1528, %get3A_1534 : vector<16xf32>
      %mul3A_1536 = arith.mulf %get3A_1522, %sub3A_1535 : vector<16xf32>
      %add3A_1537 = arith.addf %add3A_1516, %mul3A_1536 : vector<16xf32>
      %add3A_1538 = arith.constant 48 : i32
      %add3A_1539 = arith.addi %squeeze3A_1468, %add3A_1538 : i32
      %get3A_1540 = arith.constant 15 : i32
      %get3A_1541 = arith.index_cast %get3A_1540 : i32 to index
      %get3A_1542 = arith.index_cast %add3A_1539 : i32 to index
      %get3A_1543 = tpu.vector_load %arg11[%get3A_1541, %get3A_1542] {strides = array<i32>} : memref<16x128xf32, #tpu.memory_space<vmem>>, vector<16xf32>,
      %add3A_1544 = arith.constant 48 : i32
      %add3A_1545 = arith.addi %squeeze3A_1470, %add3A_1544 : i32
      %get3A_1546 = arith.constant 15 : i32
      %get3A_1547 = arith.index_cast %get3A_1546 : i32 to index
      %get3A_1548 = arith.index_cast %add3A_1545 : i32 to index
      %get3A_1549 = tpu.vector_load %arg12[%get3A_1547, %get3A_1548] {strides = array<i32>} : memref<16x128xf32, #tpu.memory_space<vmem>>, vector<16xf32>,
      %add3A_1550 = arith.constant 48 : i32
      %add3A_1551 = arith.addi %squeeze3A_1472, %add3A_1550 : i32
      %get3A_1552 = arith.constant 15 : i32
      %get3A_1553 = arith.index_cast %get3A_1552 : i32 to index
      %get3A_1554 = arith.index_cast %add3A_1551 : i32 to index
      %get3A_1555 = tpu.vector_load %arg13[%get3A_1553, %get3A_1554] {strides = array<i32>} : memref<16x128xf32, #tpu.memory_space<vmem>>, vector<16xf32>,
      %sub3A_1556 = arith.subf %get3A_1549, %get3A_1555 : vector<16xf32>
      %mul3A_1557 = arith.mulf %get3A_1543, %sub3A_1556 : vector<16xf32>
      %add3A_1558 = arith.addf %add3A_1537, %mul3A_1557 : vector<16xf32>
      %broadcast_in_dim3A_1559 = arith.constant 15 : i32
      %broadcast_in_dim3A_1560 = vector.broadcast %broadcast_in_dim3A_1559 : i32 to vector<16xi32>
      tpu.vector_store_idx %arg14[%iota3A, %broadcast_in_dim3A_1560], %add3A_1558 : memref<16x16xf32, #tpu.memory_space<vmem>>[vector<16xi32>, vector<16xi32>], vector<16xf32>,
      %get3A_1561 = arith.constant 0 : i32
      %get3A_1562 = arith.index_cast %get3A_1561 : i32 to index
      %get3A_1563 = arith.constant 0 : index
      %get3A_1564 = tpu.vector_load %arg14[%get3A_1562, %get3A_1563] {strides = array<i32>} : memref<16x16xf32, #tpu.memory_space<vmem>>, vector<16xf32>,
      %get3A_1565 = arith.constant 1 : i32
      %get3A_1566 = arith.index_cast %get3A_1565 : i32 to index
      %get3A_1567 = arith.constant 0 : index
      %get3A_1568 = tpu.vector_load %arg14[%get3A_1566, %get3A_1567] {strides = array<i32>} : memref<16x16xf32, #tpu.memory_space<vmem>>, vector<16xf32>,
      %add3A_1569 = arith.addf %get3A_1564, %get3A_1568 : vector<16xf32>
      %get3A_1570 = arith.constant 2 : i32
      %get3A_1571 = arith.index_cast %get3A_1570 : i32 to index
      %get3A_1572 = arith.constant 0 : index
      %get3A_1573 = tpu.vector_load %arg14[%get3A_1571, %get3A_1572] {strides = array<i32>} : memref<16x16xf32, #tpu.memory_space<vmem>>, vector<16xf32>,
      %add3A_1574 = arith.addf %add3A_1569, %get3A_1573 : vector<16xf32>
      %get3A_1575 = arith.constant 3 : i32
      %get3A_1576 = arith.index_cast %get3A_1575 : i32 to index
      %get3A_1577 = arith.constant 0 : index
      %get3A_1578 = tpu.vector_load %arg14[%get3A_1576, %get3A_1577] {strides = array<i32>} : memref<16x16xf32, #tpu.memory_space<vmem>>, vector<16xf32>,
      %add3A_1579 = arith.addf %add3A_1574, %get3A_1578 : vector<16xf32>
      %get3A_1580 = arith.constant 4 : i32
      %get3A_1581 = arith.index_cast %get3A_1580 : i32 to index
      %get3A_1582 = arith.constant 0 : index
      %get3A_1583 = tpu.vector_load %arg14[%get3A_1581, %get3A_1582] {strides = array<i32>} : memref<16x16xf32, #tpu.memory_space<vmem>>, vector<16xf32>,
      %add3A_1584 = arith.addf %add3A_1579, %get3A_1583 : vector<16xf32>
      %get3A_1585 = arith.constant 5 : i32
      %get3A_1586 = arith.index_cast %get3A_1585 : i32 to index
      %get3A_1587 = arith.constant 0 : index
      %get3A_1588 = tpu.vector_load %arg14[%get3A_1586, %get3A_1587] {strides = array<i32>} : memref<16x16xf32, #tpu.memory_space<vmem>>, vector<16xf32>,
      %add3A_1589 = arith.addf %add3A_1584, %get3A_1588 : vector<16xf32>
      %get3A_1590 = arith.constant 6 : i32
      %get3A_1591 = arith.index_cast %get3A_1590 : i32 to index
      %get3A_1592 = arith.constant 0 : index
      %get3A_1593 = tpu.vector_load %arg14[%get3A_1591, %get3A_1592] {strides = array<i32>} : memref<16x16xf32, #tpu.memory_space<vmem>>, vector<16xf32>,
      %add3A_1594 = arith.addf %add3A_1589, %get3A_1593 : vector<16xf32>
      %get3A_1595 = arith.constant 7 : i32
      %get3A_1596 = arith.index_cast %get3A_1595 : i32 to index
      %get3A_1597 = arith.constant 0 : index
      %get3A_1598 = tpu.vector_load %arg14[%get3A_1596, %get3A_1597] {strides = array<i32>} : memref<16x16xf32, #tpu.memory_space<vmem>>, vector<16xf32>,
      %add3A_1599 = arith.addf %add3A_1594, %get3A_1598 : vector<16xf32>
      %get3A_1600 = arith.constant 8 : i32
      %get3A_1601 = arith.index_cast %get3A_1600 : i32 to index
      %get3A_1602 = arith.constant 0 : index
      %get3A_1603 = tpu.vector_load %arg14[%get3A_1601, %get3A_1602] {strides = array<i32>} : memref<16x16xf32, #tpu.memory_space<vmem>>, vector<16xf32>,
      %add3A_1604 = arith.addf %add3A_1599, %get3A_1603 : vector<16xf32>
      %get3A_1605 = arith.constant 9 : i32
      %get3A_1606 = arith.index_cast %get3A_1605 : i32 to index
      %get3A_1607 = arith.constant 0 : index
      %get3A_1608 = tpu.vector_load %arg14[%get3A_1606, %get3A_1607] {strides = array<i32>} : memref<16x16xf32, #tpu.memory_space<vmem>>, vector<16xf32>,
      %add3A_1609 = arith.addf %add3A_1604, %get3A_1608 : vector<16xf32>
      %get3A_1610 = arith.constant 10 : i32
      %get3A_1611 = arith.index_cast %get3A_1610 : i32 to index
      %get3A_1612 = arith.constant 0 : index
      %get3A_1613 = tpu.vector_load %arg14[%get3A_1611, %get3A_1612] {strides = array<i32>} : memref<16x16xf32, #tpu.memory_space<vmem>>, vector<16xf32>,
      %add3A_1614 = arith.addf %add3A_1609, %get3A_1613 : vector<16xf32>
      %get3A_1615 = arith.constant 11 : i32
      %get3A_1616 = arith.index_cast %get3A_1615 : i32 to index
      %get3A_1617 = arith.constant 0 : index
      %get3A_1618 = tpu.vector_load %arg14[%get3A_1616, %get3A_1617] {strides = array<i32>} : memref<16x16xf32, #tpu.memory_space<vmem>>, vector<16xf32>,
      %add3A_1619 = arith.addf %add3A_1614, %get3A_1618 : vector<16xf32>
      %get3A_1620 = arith.constant 12 : i32
      %get3A_1621 = arith.index_cast %get3A_1620 : i32 to index
      %get3A_1622 = arith.constant 0 : index
      %get3A_1623 = tpu.vector_load %arg14[%get3A_1621, %get3A_1622] {strides = array<i32>} : memref<16x16xf32, #tpu.memory_space<vmem>>, vector<16xf32>,
      %add3A_1624 = arith.addf %add3A_1619, %get3A_1623 : vector<16xf32>
      %get3A_1625 = arith.constant 13 : i32
      %get3A_1626 = arith.index_cast %get3A_1625 : i32 to index
      %get3A_1627 = arith.constant 0 : index
      %get3A_1628 = tpu.vector_load %arg14[%get3A_1626, %get3A_1627] {strides = array<i32>} : memref<16x16xf32, #tpu.memory_space<vmem>>, vector<16xf32>,
      %add3A_1629 = arith.addf %add3A_1624, %get3A_1628 : vector<16xf32>
      %get3A_1630 = arith.constant 14 : i32
      %get3A_1631 = arith.index_cast %get3A_1630 : i32 to index
      %get3A_1632 = arith.constant 0 : index
      %get3A_1633 = tpu.vector_load %arg14[%get3A_1631, %get3A_1632] {strides = array<i32>} : memref<16x16xf32, #tpu.memory_space<vmem>>, vector<16xf32>,
      %add3A_1634 = arith.addf %add3A_1629, %get3A_1633 : vector<16xf32>
      %get3A_1635 = arith.constant 15 : i32
      %get3A_1636 = arith.index_cast %get3A_1635 : i32 to index
      %get3A_1637 = arith.constant 0 : index
      %get3A_1638 = tpu.vector_load %arg14[%get3A_1636, %get3A_1637] {strides = array<i32>} : memref<16x16xf32, #tpu.memory_space<vmem>>, vector<16xf32>,
      %add3A_1639 = arith.addf %add3A_1634, %get3A_1638 : vector<16xf32>
      %mul3A_1640 = arith.constant 16 : i32
      %mul3A_1641 = arith.muli %scan3A_8, %mul3A_1640 : i32
      %swap3A = arith.index_cast %mul3A_1641 : i32 to index
      %swap3A_1642 = tpu.vector_load %arg15[%swap3A] {strides = array<i32>} : memref<512xf32, #tpu.memory_space<vmem>>, vector<16xf32>,
      tpu.vector_store %arg15[%swap3A], %add3A_1639 {strides = array<i32>} : memref<512xf32, #tpu.memory_space<vmem>>, vector<16xf32>,
    }
    %scan3A_5 = arith.constant 32 : i32
    %mul3A_6 = arith.constant 512 : i32
    %mul3A_7 = arith.muli %add3A, %mul3A_6 : i32
    "tpu.region"() ({
      %run_scoped3A = tpu.sem_alloc : memref<!tpu.dma_semaphore, #tpu.memory_space<semaphore_mem>>
      %dma_start3A = tpu.memref_slice %arg7[%mul3A_7] : memref<16384xf32, #tpu.memory_space<hbm>> -> memref<512xf32, #tpu.memory_space<hbm>>
      %dma_start3A_8 = tpu.memref_slice %arg7[%mul3A_7] : memref<16384xf32, #tpu.memory_space<hbm>> -> memref<512xf32, #tpu.memory_space<hbm>>
      tpu.enqueue_dma source(%arg15 : memref<512xf32, #tpu.memory_space<vmem>>) target(%dma_start3A_8 : memref<512xf32, #tpu.memory_space<hbm>>) target_semaphore(%run_scoped3A : memref<!tpu.dma_semaphore, #tpu.memory_space<semaphore_mem>>)
      %dma_wait3A = tpu.memref_slice %arg7[%mul3A_7] : memref<16384xf32, #tpu.memory_space<hbm>> -> memref<512xf32, #tpu.memory_space<hbm>>
      %dma_wait3A_9 = tpu.memref_slice %arg7[%mul3A_7] : memref<16384xf32, #tpu.memory_space<hbm>> -> memref<512xf32, #tpu.memory_space<hbm>>
      tpu.wait_dma2 semaphore(%run_scoped3A : memref<!tpu.dma_semaphore, #tpu.memory_space<semaphore_mem>>) src(%arg15 : memref<512xf32, #tpu.memory_space<vmem>>) dst(%dma_wait3A_9 : memref<512xf32, #tpu.memory_space<hbm>>)
      tpu.yield
    }) : () -> ()
    return
  }
}

</mosaic_0001>

<sc_bundles>
// kernel: kernel.3.cloned.1.call-start
scs
__scs_entry_jumppad:
0x0: {  	(pc) =	sbr.rel $0x88, $3  }
0x1: {  	(tag) =	ssettag $0x0;
	lr =	simm.s32 $0x1  }
0x2: {  	[smem:$0x3F9C] =	sst lr;
	_ =	strace $0xD0000000  }
0x3: {  	_ = 	snop  }
0x4: {  	_ = 	snop  }
0x5: {  	_ = 	snop  }
0x6: {  	_ = 	snop  }
0x7: {  	_ = 	snop  }
__scs_overlays_trampoline_lowered:
0x8: {  	[smem:$0x3FAB] =	sst s0  }
0x9: {  	[smem:$0x3FAC] =	sst s1  }
0xa: {  	[smem:$0x3FAD] =	sst s2  }
0xb: {  	[smem:$0x3FAE] =	sst s3  }
0xc: {  	[smem:$0x3FAF] =	sst s4  }
0xd: {  	[smem:$0x3FB0] =	sst s5  }
0xe: {  	[smem:$0x3FB1] =	sst s6  }
0xf: {  	[smem:$0x3FB2] =	sst s7  }
0x10: {  	[smem:$0x3FB3] =	sst s8  }
0x11: {  	[smem:$0x3FB4] =	sst s9;
	s0 =	simm.s32 @!p0 $0x0  }
0x12: {  	s1 =	sld [smem:$0x3F9A];
	s0 =	simm.s32 @p0 $0x1  }
0x13: {  	[smem:$0x3FB5] =	sst s0;
	s0 =	simm.s32 @!p1 $0x0  }
0x14: {  	s2 =	sld [smem:$0x3F99];
	s0 =	simm.s32 @p1 $0x1  }
0x15: {  	[smem:$0x3FB6] =	sst s0;
	s0 =	simm.s32 @!p2 $0x0  }
0x16: {  	s3 =	sld [smem:$0x3FDB];
	s0 =	simm.s32 @p2 $0x1  }
0x17: {  	s4 =	simm.s32 $0x1BF5;
	[smem:$0x3FB8] =	sst s0  }
0x18: {  	s0 =	sld [smem:$0x3F9B];
	_ =	swait.ge [sflag:s4], $0x0  }
0x19: {  	s7 =	sld [smem:$0x3F9C]  }
0x1a: {  	s8 =	sadd.s32 $0xFFFFE003, lr  }
0x1b: {  	s9 =	sadd.s32 $0xFFFFFEF7, lr;
	s5 =	simm.s32 $0xFFFFFFFF;
	p2 =	slt.u32 s8, $0xFFFFF086  }
0x1c: {  	p1 =	slt.u32 s9, $0xF7A;
	s5 =	simm.s32 @!p2 $0x0  }
0x1d: {  	s5 =	simm.s32 @p1 $0x1;
	p0 =	seq.s32 s7, s2  }
0x1e: {  	s7 =	smul.u32 @!p0 $0xF7A, s2;
	p2 =	seq.s32 @!p0 s5, $0x0  }
0x1f: {  	s9 =	smul.u32 $0xF7A, s1;
	s8 =	simm.s32 @!p0 $0x1BF5;
	p2 =	por !p2, p0  }
0x20: {  	[sflag:s8] =	ssyncset.s32 @!p0 $0xFFFFF086;
	s6 =	sadd.s32 @!p0 s3, s7;
	s7 =	simm.s32 @!p0 $0x108  }
0x21: {  	s3 =	sadd.s32 s3, s9;
	s6 =	sadd.s32 @!p0 $0x88, s6;
	s7 =	simm.s32 @p2 $0x1082  }
0x22: {  	[simem:s7], [sflag:s8] =	dma.local @!p0 [hbm:s6], $0xF7A  }
0x23: {  	s9 =	sor.u32 $0xD0000000, s2;
	s6 =	simm.s32 $0x108;
	_ =	swait.ge @!p0 [sflag:s8], $0x0  }
0x24: {  	s3 =	sadd.s32 $0x88, s3;
	s6 =	simm.s32 @!p1 $0x1082;
	[sflag:s4] =	ssyncset.s32 $0xFFFFF086  }
0x25: {  	[simem:s6], [sflag:s4] =	dma.local [hbm:s3], $0xF7A  }
0x26: {  	[smem:$0x3F9C] =	sst s1;
	(tag) =	ssettag s2;
	_ =	strace s9  }
0x27: {  	s1 =	sld [smem:$0x3FAC]  }
0x28: {  	s2 =	sld [smem:$0x3FAD]  }
0x29: {  	s4 =	sld [smem:$0x3FAF]  }
0x2a: {  	p0 =	seq.s32 s5, $0x0;
	s5 =	sld [smem:$0x3FB0]  }
0x2b: {  	s6 =	sld [smem:$0x3FB1]  }
0x2c: {  	s7 =	sld [smem:$0x3FB2]  }
0x2d: {  	s3 =	simm.s32 $0x108;
	s8 =	sld [smem:$0x3FB3]  }
0x2e: {  	s3 =	simm.s32 @!p0 $0x1082;
	s9 =	sld [smem:$0x3FB4]  }
0x2f: {  	lr =	sadd.s32 s0, s3;
	s0 =	sld [smem:$0x3FAB]  }
0x30: {  	s3 =	sld [smem:$0x3FAE]  }
0x31: {  	[smem:$0x3FB7] =	sst s10  }
0x32: {  	s10 =	sld [smem:$0x3FB5];
	_ =	sdelay $0x3  }
0x33: {  	p0 =	seq.s32 s10, $0x1;
	s10 =	sld [smem:$0x3FB7];
	_ =	sdelay $0x3  }
0x34: {  	[smem:$0x3FB7] =	sst s10  }
0x35: {  	s10 =	sld [smem:$0x3FB6];
	_ =	sdelay $0x3  }
0x36: {  	p1 =	seq.s32 s10, $0x1;
	s10 =	sld [smem:$0x3FB7];
	_ =	sdelay $0x3  }
0x37: {  	[smem:$0x3FB7] =	sst s10  }
0x38: {  	s10 =	sld [smem:$0x3FB8]  }
0x39: {  	_ = 	snop;
	(pc) =	sbr.ind lr, $3  }
0x3a: {  	_ = 	snop  }
0x3b: {  	_ = 	snop  }
0x3c: {  	p2 =	seq.s32 s10, $0x1;
	s10 =	sld [smem:$0x3FB7]  }
0x3d: {  	_ =	shalt  }
0x3e: {  	_ =	shalt  }
0x3f: {  	_ =	shalt  }
0x40: {  	_ =	shalt  }
0x41: {  	_ =	shalt  }
0x42: {  	_ =	shalt  }
0x43: {  	_ =	shalt  }
0x44: {  	_ =	shalt  }
0x45: {  	_ =	shalt  }
0x46: {  	_ =	shalt  }
0x47: {  	_ =	shalt  }
0x48: {  	_ =	shalt  }
0x49: {  	_ =	shalt  }
0x4a: {  	_ =	shalt  }
0x4b: {  	_ =	shalt  }
0x4c: {  	_ =	shalt  }
0x4d: {  	_ =	shalt  }
0x4e: {  	_ =	shalt  }
0x4f: {  	_ =	shalt  }
0x50: {  	_ =	shalt  }
0x51: {  	_ =	shalt  }
0x52: {  	_ =	shalt  }
0x53: {  	_ =	shalt  }
0x54: {  	_ =	shalt  }
0x55: {  	_ =	shalt  }
0x56: {  	_ =	shalt  }
0x57: {  	_ =	shalt  }
0x58: {  	_ =	shalt  }
0x59: {  	_ =	shalt  }
0x5a: {  	_ =	shalt  }
0x5b: {  	_ =	shalt  }
0x5c: {  	_ =	shalt  }
0x5d: {  	_ =	shalt  }
0x5e: {  	_ =	shalt  }
0x5f: {  	_ =	shalt  }
0x60: {  	_ =	shalt  }
0x61: {  	_ =	shalt  }
0x62: {  	_ =	shalt  }
0x63: {  	_ =	shalt  }
0x64: {  	_ =	shalt  }
0x65: {  	_ =	shalt  }
0x66: {  	_ =	shalt  }
0x67: {  	_ =	shalt  }
0x68: {  	_ =	shalt  }
0x69: {  	_ =	shalt  }
0x6a: {  	_ =	shalt  }
0x6b: {  	_ =	shalt  }
0x6c: {  	_ =	shalt  }
0x6d: {  	_ =	shalt  }
0x6e: {  	_ =	shalt  }
0x6f: {  	_ =	shalt  }
0x70: {  	_ =	shalt  }
0x71: {  	_ =	shalt  }
0x72: {  	_ =	shalt  }
0x73: {  	_ =	shalt  }
0x74: {  	_ =	shalt  }
0x75: {  	_ =	shalt  }
0x76: {  	_ =	shalt  }
0x77: {  	_ =	shalt  }
0x78: {  	_ =	shalt  }
0x79: {  	_ =	shalt  }
0x7a: {  	_ =	shalt  }
0x7b: {  	_ =	shalt  }
0x7c: {  	_ =	shalt  }
0x7d: {  	_ =	shalt  }
0x7e: {  	_ =	shalt  }
0x7f: {  	_ =	shalt  }
0x80: {  	_ =	shalt  }
0x81: {  	_ =	shalt  }
0x82: {  	_ =	shalt  }
0x83: {  	_ =	shalt  }
0x84: {  	_ =	shalt  }
0x85: {  	_ =	shalt  }
0x86: {  	_ =	shalt  }
0x87: {  	_ =	shalt  }
.Lfunc_end0:
.L_simem_size_0:
called_computation_lowered:
.L_overlay_start_0:
0x88: {  	s2 =	sld [smem:$0x3FD9]  }
0x89: {  	s3 =	sld [smem:$0x3FFE];
	_ =	sdelay $0x1  }
0x8a: {  	s1 =	srdreg.scid  }
0x8b: {  	s0 =	sand.u32 $0x1, s1  }
0x8c: {  	s17 =	sshll.u32 s0, $0xA;
	s2 =	sadd.s32 s3, s2  }
0x8d: {  	s2 =	sadd.s32 s2, s17  }
0x8e: {  	[smem:$0x3FC3] =	sst s2  }
0x8f: {  	_ = 	snop  }
0x90: {  	s2 =	sld [smem:$0x3FD0];
	(tm) =	ssettm $0x1  }
0x91: {  	s18 =	sld [smem:$0x3FFB];
	_ =	sdelay $0x3  }
0x92: {  	_ =	strace s18  }
0x93: {  	s3 =	sld [smem:$0x3FFC];
	_ =	sdelay $0x3  }
0x94: {  	_ =	strace s3  }
0x95: {  	s3 =	sld [smem:$0x3FFD];
	_ =	sdelay $0x3  }
0x96: {  	_ =	strace s3  }
0x97: {  	_ =	strace $0x8FFFFFFF  }
0x98: {  	s19 =	sld [smem:$0x3FDB];
	_ =	sdelay $0x1  }
0x99: {  	s4 =	simm.s32 $_scs_section_size  }
0x9a: {  	s5 =	simm.s32 $_size__tile_overlayer_lowered;
	s6 =	simm.s32 $_tile_overlayer_lowered  }
0x9b: {  	s22 =	simm.s32 $0x1BFF;
	s21 =	sshll.u32 s6, $0x1;
	s3 =	sadd.s32 s4, s19  }
0x9c: {  	s7 =	simm.s32 $0x0;
	s20 =	sshll.u32 s5, $0x1;
	s5 =	sadd.s32 s21, s3  }
0x9d: {  	[timem:s7], [sflag:s22] =	dma.local [hbm:s5], s20  }
0x9e: {  	_ =	swait.ge [sflag:s22], s20  }
0x9f: {  	s4 =	ssub.s32 $0x0, s20;
	[sflag:s22] =	ssyncset.done $0x0  }
0xa0: {  	[sflag:s22] =	ssyncadd.s32 s4;
	_ =	sdelay $0x1  }
0xa1: {  	s23 =	simm.s32 $0x1B8B  }
0xa2: {  	_ =	swait.ge [sflag:s23], $0x1  }
0xa3: {  	[sflag:s23] =	ssyncset.done $0x0  }
0xa4: {  	s25 =	simm.s32 $0x1B8E;
	s24 =	sld [smem:$0x3FFE];
	[sflag:s23] =	ssyncadd.s32 $0xFFFFFFFF  }
0xa5: {  	s26 =	simm.s32 $execute0_lowered;
	[smem:$0x3FD2] =	sst s25  }
0xa6: {  	s5 =	sshll.u32 s26, $0x1;
	_ =	strace $0x80000046;
	[dreg:$0x1] =	wrdreg $0xFFFFFFFF  }
0xa7: {  	s28 =	simm.s32 $_size_execute0_lowered;
	s3 =	sadd.s32 s3, s5;
	[dreg:$0x0] =	wrdreg $0x0  }
0xa8: {  	s5 =	sshll.u32 s28, $0x1;
	[dreg:$0x2] =	wrdreg s3  }
0xa9: {  	[dreg:$0x3] =	wrdreg s5  }
0xaa: {  	[dreg:$0x4] =	wrdreg $0xC0  }
0xab: {  	_ =	task [dreg:s7], $0x5FFFF  }
0xac: {  	[dreg:$0x1] =	wrdreg $0xFFFFFFFF  }
0xad: {  	[dreg:$0x0] =	wrdreg $0x60  }
0xae: {  	[dreg:$0x2] =	wrdreg s24  }
0xaf: {  	[dreg:$0x3] =	wrdreg s2  }
0xb0: {  	[dreg:$0x4] =	wrdreg $0x9  }
0xb1: {  	_ =	task.clear_ibuf [dreg:s7], $0x5FFFF;
	_ =	strace $0x90000046  }
0xb2: {  	s29 =	simm.s32 $0x9;
	_ =	strace $0x80000048  }
0xb3: {  	_ =	swait.ge [sflag:s29], $0x1  }
0xb4: {  	[sflag:s29] =	ssyncadd.s32 $0xFFFFFFFF  }
0xb5: {  	_ =	strace $0x90000048  }
0xb6: {  	_ =	sfence  }
0xb7: {  	s30 =	sld [smem:$0x0];
	_ =	sdelay $0x2  }
0xb8: {  	s31 =	sshll.u32 s1, $0xD;
	s1 =	sshrl.u32 s1, $0x2  }
0xb9: {  	s3 =	sand.u32 $0x4000, s31;
	s1 =	sadd.s32 s1, s30  }
0xba: {  	s0 =	sor.u32 s3, s0;
	s1 =	sshll.u32 s1, $0x11  }
0xbb: {  	s0 =	sor.u32 s1, s0  }
0xbc: {  	s0 =	sadd.s32 $0x8F2B, s0  }
0xbd: {  	[sflag:s0] =	ssyncadd.remote.s32 $0x1  }
0xbe: {  	_ =	sfence.sel $0xFFFF  }
0xbf: {  	[dreg:$0x0] =	wrdreg $0xFFFFFFFF;
	(pc) =	sbr.abs _section_cstart, $3  }
0xc0: {  	[dreg:$0x1] =	wrdreg $0xFFFFFFFF  }
0xc1: {  	_ =	task.clear_ibuf [dreg:s7], $0x2FFFF;
	_ =	strace $0x9FFFFFFF  }
0xc2: {  	(tm) =	ssettm $0x7FFFFFFF  }
0xc3: {  	_ =	shalt  }
tec
execute0_lowered:
.L_overlay_start_1:
0x0: {  	(tag) =	ssettag $0x1  }
0x1: {  	s3 =	rddreg [dreg:$0x0]  }
0x2: {  	s1 =	srdreg.scid;
	s0 =	stileid.u32  }
0x3: {  	s7 =	rddreg [dreg:$0x1];
	s11 =	simm.s32 $0x600;
	s10 =	simm.s32 $0x400  }
0x4: {  	s12 =	simm.s32 $0xE00;
	s13 =	simm.s32 $0x1600;
	s14 =	simm.s32 $0x1E00  }
0x5: {  	s15 =	simm.s32 $0x2600;
	s16 =	simm.s32 $0x0;
	s4 =	sand.u32 $0x1, s1  }
0x6: {  	s2 =	sshll.u32 s0, $0x1;
	s1 =	rddreg [dreg:$0x2];
	s6 =	sshll.u32 s0, $0x7  }
0x7: {  	s30 =	sadd.s32 $0xF42E00, s3;
	s5 =	sor.u32 s4, s2;
	s2 =	simm.s32 $0x0  }
0x8: {  	v0 =	vlaneseq.u32;
	s4 =	ssub.s32 $0x2, s4;
	s8 =	sshll.u32 s5, $0x4;
	[smem:$0x7FF] =	sst s2  }
0x9: {  	v0 =	vmul.u32 $0x80, v0;
	s31 =	sshrl.u32 s4, $0x1;
	s9 =	sshll.u32 s5, $0x6;
	s6 =	sor.u32 s6, s8  }
0xa: {  	vm0 =	vmmov $0xffff;
	_ =	strace $0x80000047;
	[dreg:$0x4] =	wrdreg s30;
	s8 =	ssub.s32 s4, s31  }
0xb: {  	v1 =	vor.u32 $0x1, v0;
	v2 =	vor.u32 $0x2, v0;
	v3 =	vor.u32 $0x3, v0;
	s7 =	sadd.s32 s7, s9;
	s9 =	simm.s32 $0x80;
	[dreg:$0x3] =	wrdreg s11  }
0xc: {  	v4 =	vor.u32 $0x4, v0;
	v5 =	vor.u32 $0x5, v0;
	v6 =	vor.u32 $0x6, v0;
	s11 =	simm.s32 $0x2;
	[dreg:$0x5] =	wrdreg s12;
	s12 =	simm.s32 $0x200  }
0xd: {  	v7 =	vor.u32 $0x7, v0;
	v8 =	vor.u32 $0x8, v0;
	v9 =	vor.u32 $0x9, v0;
	[dreg:$0x6] =	wrdreg s13;
	s13 =	simm.s32 $0x1;
	s6 =	sand.u32 $0x670, s6  }
0xe: {  	v10 =	vor.u32 $0xA, v0;
	v11 =	vor.u32 $0xB, v0;
	v12 =	vor.u32 $0xC, v0;
	s8 =	smax.u32 s8, $0x1;
	s6 =	sadd.s32 s6, s3;
	s3 =	sadd.s32 $0x16E4000, s3  }
0xf: {  	v13 =	vor.u32 $0xD, v0;
	v14 =	vor.u32 $0xE, v0;
	v15 =	vor.u32 $0xF, v0;
	s4 =	sadd.s32 $0xA00, s6;
	s5 =	sadd.s32 $0x1200, s6;
	s6 =	sadd.s32 $0x1A00, s6  }
.LBB2_1:
0x10: {  	[tilespmem:s2], [sflag:$0x2] =	stream.strided.gather [hbm4b:s4+s9], $0x200, s10, s9, $0x38;
	[tilespmem:$0x2800] =	vst v63  }
0x11: {  	_ =	swait.ge [sflag:s11], $0x200  }
0x12: {  	[sflag:s11] =	ssyncset.done $0x0  }
0x13: {  	[sflag:s11] =	ssyncadd.s32 $0xFFFFFE00  }
0x14: {  	[tilespmem:s12], [sflag:$0x2] =	stream.strided.gather [hbm4b:s5+s9], $0x200, s10, s9, $0x38;
	[tilespmem:$0x2800] =	vst v63  }
0x15: {  	_ =	swait.ge [sflag:s11], $0x200  }
0x16: {  	[sflag:s11] =	ssyncset.done $0x0  }
0x17: {  	[sflag:s11] =	ssyncadd.s32 $0xFFFFFE00  }
0x18: {  	[tilespmem:s10], [sflag:$0x2] =	stream.strided.gather [hbm4b:s6+s9], $0x200, s10, s9, $0x38;
	[tilespmem:$0x2800] =	vst v63  }
0x19: {  	_ =	swait.ge [sflag:s11], $0x200  }
0x1a: {  	[sflag:s11] =	ssyncset.done $0x0  }
0x1b: {  	s17 =	simm.s32 $0x0;
	[sflag:s11] =	ssyncadd.s32 $0xFFFFFE00  }
.LBB2_2:
0x1c: {  	s18 =	sshra.s32 s17, $0x2  }
0x1d: {  	v16 =	vld [tilespmem:s18+$0x0];
	_ =	sdelay $0x1  }
0x1e: {  	v17 =	vld [tilespmem:s18+$0x200];
	_ =	sdelay $0x1  }
0x1f: {  	v18 =	vld [tilespmem:s18+$0x400]  }
0x20: {  	v19 =	vshrl.u32 v16, $0x1;
	_ =	sdelay $0x1  }
0x21: {  	v20 =	vshrl.u32 v17, $0x1  }
0x22: {  	s19 =	rddreg [dreg:$0x3]  }
0x23: {  	s20 =	rddreg [dreg:$0x4];
	v21 =	vshrl.u32 v18, $0x1  }
0x24: {  	[tilespmem:s19], [sflag:$0x1] =	stream.indirect_vreg.gather [hbm4b:s20+s2], $0x80, v19, vm0, $0xb8;
	[tilespmem:$0x2800] =	vst v63  }
0x25: {  	s21 =	rddreg [dreg:$0x5]  }
0x26: {  	[tilespmem:s21], [sflag:$0x1] =	stream.indirect_vreg.gather [hbm4b:s3+s2], $0x80, v20, vm0, $0xb8;
	[tilespmem:$0x2800] =	vst v63  }
0x27: {  	s28 =	rddreg [dreg:$0x6]  }
0x28: {  	[tilespmem:s28], [sflag:$0x1] =	stream.indirect_vreg.gather [hbm4b:s3+s2], $0x80, v21, vm0, $0xb8;
	[tilespmem:$0x2800] =	vst v63  }
0x29: {  	_ =	swait.ge [sflag:s13], $0x800  }
0x2a: {  	[sflag:s13] =	ssyncset.done $0x0  }
0x2b: {  	[sflag:s13] =	ssyncadd.s32 $0xFFFFF800  }
0x2c: {  	_ =	swait.ge [sflag:s13], $0x800  }
0x2d: {  	[sflag:s13] =	ssyncset.done $0x0  }
0x2e: {  	v16 =	vshll.u32 v16, $0x6;
	[sflag:s13] =	ssyncadd.s32 $0xFFFFF800  }
0x2f: {  	v16 =	vand.u32 $0x40, v16;
	_ =	swait.ge [sflag:s13], $0x800  }
0x30: {  	(v2sf) =	vpush v16, $0x0  }
0x31: {  	v17 =	vshll.u32 v17, $0x6  }
0x32: {  	v18 =	vshll.u32 v18, $0x6;
	v17 =	vand.u32 $0x40, v17  }
0x33: {  	v18 =	vand.u32 $0x40, v18;
	(v2sf) =	vpush v17, $0x0  }
0x34: {  	(v2sf) =	vpush v18, $0x0;
	_ =	sdelay $0x9  }
0x35: {  	[sflag:s13] =	ssyncset.done $0x0  }
0x36: {  	[sflag:s13] =	ssyncadd.s32 $0xFFFFF800;
	s29 =	spop (v2sf)  }
0x37: {  	v63 =	vld [tilespmem:s29+$0x600]  }
0x38: {  	v22 =	vld [tilespmem:s29+$0x610]  }
0x39: {  	s30 =	spop (v2sf);
	v25 =	vld [tilespmem:s29+$0x620]  }
0x3a: {  	s31 =	spop (v2sf);
	v30 =	vld [tilespmem:s30+$0xE00]  }
0x3b: {  	v31 =	vld [tilespmem:s31+$0x1600]  }
0x3c: {  	v23 =	vld [tilespmem:s30+$0xE10]  }
0x3d: {  	(v2sf) =	vpush v16, $0x1;
	v24 =	vld [tilespmem:s31+$0x1610]  }
0x3e: {  	(v2sf) =	vpush v17, $0x1;
	v26 =	vld [tilespmem:s30+$0xE20]  }
0x3f: {  	(v2sf) =	vpush v18, $0x1;
	v27 =	vld [tilespmem:s31+$0x1620]  }
0x40: {  	v32 =	vld [tilespmem:s30+$0xE30];
	v20 =	vsub.f32 v30, v31  }
0x41: {  	v28 =	vld [tilespmem:s31+$0x1630]  }
0x42: {  	v33 =	vsub.f32 v23, v24;
	v19 =	vmul.f32 v20, v63  }
0x43: {  	v34 =	vld [tilespmem:s29+$0x630]  }
0x44: {  	v35 =	vsub.f32 v26, v27;
	v20 =	vmul.f32 v33, v22;
	v19 =	vadd.f32 $0.0e+00, v19;
	_ =	sdelay $0x1  }
0x45: {  	v21 =	vsub.f32 v32, v28;
	v36 =	vmul.f32 v35, v25;
	v19 =	vadd.f32 v20, v19;
	_ =	sdelay $0x1  }
0x46: {  	v37 =	vmul.f32 v21, v34;
	v19 =	vadd.f32 v36, v19;
	_ =	sdelay $0x1  }
0x47: {  	v19 =	vadd.f32 v37, v19;
	_ =	sdelay $0x1  }
0x48: {  	s22 =	spop (v2sf);
	[tilespmem:v0+s14+$0x0] =	vst.idx.msk $0xffff, v19  }
0x49: {  	s23 =	spop (v2sf);
	v19 =	vld [tilespmem:s22+$0x680]  }
0x4a: {  	s24 =	spop (v2sf);
	v38 =	vld [tilespmem:s23+$0xE80]  }
0x4b: {  	v39 =	vld [tilespmem:s24+$0x1680]  }
0x4c: {  	v40 =	vld [tilespmem:s22+$0x690]  }
0x4d: {  	v41 =	vld [tilespmem:s23+$0xE90]  }
0x4e: {  	v42 =	vld [tilespmem:s24+$0x1690]  }
0x4f: {  	(v2sf) =	vpush v16, $0x2;
	v43 =	vld [tilespmem:s22+$0x6A0]  }
0x50: {  	(v2sf) =	vpush v17, $0x2;
	v44 =	vld [tilespmem:s23+$0xEA0]  }
0x51: {  	(v2sf) =	vpush v18, $0x2;
	v45 =	vld [tilespmem:s24+$0x16A0]  }
0x52: {  	v46 =	vld [tilespmem:s23+$0xEB0];
	v20 =	vsub.f32 v38, v39  }
0x53: {  	v47 =	vld [tilespmem:s24+$0x16B0]  }
0x54: {  	v48 =	vsub.f32 v41, v42;
	v19 =	vmul.f32 v20, v19  }
0x55: {  	v49 =	vld [tilespmem:s22+$0x6B0]  }
0x56: {  	v50 =	vsub.f32 v44, v45;
	v20 =	vmul.f32 v48, v40;
	v19 =	vadd.f32 $0.0e+00, v19;
	_ =	sdelay $0x1  }
0x57: {  	v21 =	vsub.f32 v46, v47;
	v51 =	vmul.f32 v50, v43;
	v19 =	vadd.f32 v20, v19;
	_ =	sdelay $0x1  }
0x58: {  	v52 =	vmul.f32 v21, v49;
	v19 =	vadd.f32 v51, v19;
	_ =	sdelay $0x1  }
0x59: {  	v19 =	vadd.f32 v52, v19;
	_ =	sdelay $0x1  }
0x5a: {  	s25 =	spop (v2sf);
	[tilespmem:v1+s14+$0x0] =	vst.idx.msk $0xffff, v19  }
0x5b: {  	s26 =	spop (v2sf);
	v19 =	vld [tilespmem:s25+$0x700]  }
0x5c: {  	s28 =	spop (v2sf);
	v53 =	vld [tilespmem:s26+$0xF00]  }
0x5d: {  	v54 =	vld [tilespmem:s28+$0x1700]  }
0x5e: {  	v55 =	vld [tilespmem:s25+$0x710]  }
0x5f: {  	v56 =	vld [tilespmem:s26+$0xF10]  }
0x60: {  	v57 =	vld [tilespmem:s28+$0x1710]  }
0x61: {  	(v2sf) =	vpush v16, $0x3;
	v58 =	vld [tilespmem:s25+$0x720]  }
0x62: {  	(v2sf) =	vpush v17, $0x3;
	v59 =	vld [tilespmem:s26+$0xF20]  }
0x63: {  	(v2sf) =	vpush v18, $0x3;
	v60 =	vld [tilespmem:s28+$0x1720]  }
0x64: {  	v61 =	vld [tilespmem:s26+$0xF30];
	v20 =	vsub.f32 v53, v54  }
0x65: {  	v62 =	vld [tilespmem:s28+$0x1730]  }
0x66: {  	v63 =	vsub.f32 v56, v57;
	v19 =	vmul.f32 v20, v19  }
0x67: {  	v24 =	vld [tilespmem:s25+$0x730]  }
0x68: {  	v27 =	vsub.f32 v59, v60;
	v20 =	vmul.f32 v63, v55;
	v19 =	vadd.f32 $0.0e+00, v19;
	_ =	sdelay $0x1  }
0x69: {  	v21 =	vsub.f32 v61, v62;
	v29 =	vmul.f32 v27, v58;
	v19 =	vadd.f32 v20, v19;
	_ =	sdelay $0x1  }
0x6a: {  	v30 =	vmul.f32 v21, v24;
	v19 =	vadd.f32 v29, v19;
	_ =	sdelay $0x1  }
0x6b: {  	v19 =	vadd.f32 v30, v19;
	_ =	sdelay $0x1  }
0x6c: {  	s29 =	spop (v2sf);
	[tilespmem:v2+s14+$0x0] =	vst.idx.msk $0xffff, v19  }
0x6d: {  	s30 =	spop (v2sf);
	v19 =	vld [tilespmem:s29+$0x780]  }
0x6e: {  	s31 =	spop (v2sf);
	v31 =	vld [tilespmem:s30+$0xF80]  }
0x6f: {  	v32 =	vld [tilespmem:s31+$0x1780]  }
0x70: {  	v33 =	vld [tilespmem:s29+$0x790]  }
0x71: {  	v34 =	vld [tilespmem:s30+$0xF90]  }
0x72: {  	v35 =	vld [tilespmem:s31+$0x1790]  }
0x73: {  	(v2sf) =	vpush v16, $0x4;
	v36 =	vld [tilespmem:s29+$0x7A0]  }
0x74: {  	(v2sf) =	vpush v17, $0x4;
	v37 =	vld [tilespmem:s30+$0xFA0]  }
0x75: {  	(v2sf) =	vpush v18, $0x4;
	v38 =	vld [tilespmem:s31+$0x17A0]  }
0x76: {  	v39 =	vld [tilespmem:s30+$0xFB0];
	v20 =	vsub.f32 v31, v32  }
0x77: {  	v40 =	vld [tilespmem:s31+$0x17B0]  }
0x78: {  	v41 =	vsub.f32 v34, v35;
	v19 =	vmul.f32 v20, v19  }
0x79: {  	v42 =	vld [tilespmem:s29+$0x7B0]  }
0x7a: {  	v43 =	vsub.f32 v37, v38;
	v20 =	vmul.f32 v41, v33;
	v19 =	vadd.f32 $0.0e+00, v19;
	_ =	sdelay $0x1  }
0x7b: {  	v21 =	vsub.f32 v39, v40;
	v44 =	vmul.f32 v43, v36;
	v19 =	vadd.f32 v20, v19;
	_ =	sdelay $0x1  }
0x7c: {  	v45 =	vmul.f32 v21, v42;
	v19 =	vadd.f32 v44, v19;
	_ =	sdelay $0x1  }
0x7d: {  	v19 =	vadd.f32 v45, v19;
	_ =	sdelay $0x1  }
0x7e: {  	s22 =	spop (v2sf);
	[tilespmem:v3+s14+$0x0] =	vst.idx.msk $0xffff, v19  }
0x7f: {  	s23 =	spop (v2sf);
	v19 =	vld [tilespmem:s22+$0x800]  }
0x80: {  	s24 =	spop (v2sf);
	v46 =	vld [tilespmem:s23+$0x1000]  }
0x81: {  	v47 =	vld [tilespmem:s24+$0x1800]  }
0x82: {  	v48 =	vld [tilespmem:s22+$0x810]  }
0x83: {  	v49 =	vld [tilespmem:s23+$0x1010]  }
0x84: {  	v50 =	vld [tilespmem:s24+$0x1810]  }
0x85: {  	(v2sf) =	vpush v16, $0x5;
	v51 =	vld [tilespmem:s22+$0x820]  }
0x86: {  	(v2sf) =	vpush v17, $0x5;
	v52 =	vld [tilespmem:s23+$0x1020]  }
0x87: {  	(v2sf) =	vpush v18, $0x5;
	v53 =	vld [tilespmem:s24+$0x1820]  }
0x88: {  	v54 =	vld [tilespmem:s23+$0x1030];
	v20 =	vsub.f32 v46, v47  }
0x89: {  	v55 =	vld [tilespmem:s24+$0x1830]  }
0x8a: {  	v56 =	vsub.f32 v49, v50;
	v19 =	vmul.f32 v20, v19  }
0x8b: {  	v57 =	vld [tilespmem:s22+$0x830]  }
0x8c: {  	v58 =	vsub.f32 v52, v53;
	v20 =	vmul.f32 v56, v48;
	v19 =	vadd.f32 $0.0e+00, v19;
	_ =	sdelay $0x1  }
0x8d: {  	v21 =	vsub.f32 v54, v55;
	v59 =	vmul.f32 v58, v51;
	v19 =	vadd.f32 v20, v19;
	_ =	sdelay $0x1  }
0x8e: {  	v60 =	vmul.f32 v21, v57;
	v19 =	vadd.f32 v59, v19;
	_ =	sdelay $0x1  }
0x8f: {  	v19 =	vadd.f32 v60, v19;
	_ =	sdelay $0x1  }
0x90: {  	s25 =	spop (v2sf);
	[tilespmem:v4+s14+$0x0] =	vst.idx.msk $0xffff, v19  }
0x91: {  	s26 =	spop (v2sf);
	v19 =	vld [tilespmem:s25+$0x880]  }
0x92: {  	s28 =	spop (v2sf);
	v61 =	vld [tilespmem:s26+$0x1080]  }
0x93: {  	v62 =	vld [tilespmem:s28+$0x1880]  }
0x94: {  	v63 =	vld [tilespmem:s25+$0x890]  }
0x95: {  	v32 =	vld [tilespmem:s26+$0x1090]  }
0x96: {  	v33 =	vld [tilespmem:s28+$0x1890]  }
0x97: {  	(v2sf) =	vpush v16, $0x6;
	v34 =	vld [tilespmem:s25+$0x8A0]  }
0x98: {  	(v2sf) =	vpush v17, $0x6;
	v35 =	vld [tilespmem:s26+$0x10A0]  }
0x99: {  	(v2sf) =	vpush v18, $0x6;
	v36 =	vld [tilespmem:s28+$0x18A0]  }
0x9a: {  	v37 =	vld [tilespmem:s26+$0x10B0];
	v20 =	vsub.f32 v61, v62  }
0x9b: {  	v38 =	vld [tilespmem:s28+$0x18B0]  }
0x9c: {  	v39 =	vsub.f32 v32, v33;
	v19 =	vmul.f32 v20, v19  }
0x9d: {  	v40 =	vld [tilespmem:s25+$0x8B0]  }
0x9e: {  	v41 =	vsub.f32 v35, v36;
	v20 =	vmul.f32 v39, v63;
	v19 =	vadd.f32 $0.0e+00, v19;
	_ =	sdelay $0x1  }
0x9f: {  	v21 =	vsub.f32 v37, v38;
	v42 =	vmul.f32 v41, v34;
	v19 =	vadd.f32 v20, v19;
	_ =	sdelay $0x1  }
0xa0: {  	v43 =	vmul.f32 v21, v40;
	v19 =	vadd.f32 v42, v19;
	_ =	sdelay $0x1  }
0xa1: {  	v19 =	vadd.f32 v43, v19;
	_ =	sdelay $0x1  }
0xa2: {  	s29 =	spop (v2sf);
	[tilespmem:v5+s14+$0x0] =	vst.idx.msk $0xffff, v19  }
0xa3: {  	s30 =	spop (v2sf);
	v19 =	vld [tilespmem:s29+$0x900]  }
0xa4: {  	s31 =	spop (v2sf);
	v44 =	vld [tilespmem:s30+$0x1100]  }
0xa5: {  	v45 =	vld [tilespmem:s31+$0x1900]  }
0xa6: {  	v46 =	vld [tilespmem:s29+$0x910]  }
0xa7: {  	v47 =	vld [tilespmem:s30+$0x1110]  }
0xa8: {  	v48 =	vld [tilespmem:s31+$0x1910]  }
0xa9: {  	(v2sf) =	vpush v16, $0x7;
	v49 =	vld [tilespmem:s29+$0x920]  }
0xaa: {  	(v2sf) =	vpush v17, $0x7;
	v50 =	vld [tilespmem:s30+$0x1120]  }
0xab: {  	(v2sf) =	vpush v18, $0x7;
	v51 =	vld [tilespmem:s31+$0x1920]  }
0xac: {  	v52 =	vld [tilespmem:s30+$0x1130];
	v20 =	vsub.f32 v44, v45  }
0xad: {  	v53 =	vld [tilespmem:s31+$0x1930]  }
0xae: {  	v54 =	vsub.f32 v47, v48;
	v19 =	vmul.f32 v20, v19  }
0xaf: {  	v55 =	vld [tilespmem:s29+$0x930]  }
0xb0: {  	v56 =	vsub.f32 v50, v51;
	v20 =	vmul.f32 v54, v46;
	v19 =	vadd.f32 $0.0e+00, v19;
	_ =	sdelay $0x1  }
0xb1: {  	v21 =	vsub.f32 v52, v53;
	v57 =	vmul.f32 v56, v49;
	v19 =	vadd.f32 v20, v19;
	_ =	sdelay $0x1  }
0xb2: {  	v58 =	vmul.f32 v21, v55;
	v19 =	vadd.f32 v57, v19;
	_ =	sdelay $0x1  }
0xb3: {  	v19 =	vadd.f32 v58, v19;
	_ =	sdelay $0x1  }
0xb4: {  	s22 =	spop (v2sf);
	[tilespmem:v6+s14+$0x0] =	vst.idx.msk $0xffff, v19  }
0xb5: {  	s23 =	spop (v2sf);
	v19 =	vld [tilespmem:s22+$0x980]  }
0xb6: {  	s24 =	spop (v2sf);
	v59 =	vld [tilespmem:s23+$0x1180]  }
0xb7: {  	v60 =	vld [tilespmem:s24+$0x1980]  }
0xb8: {  	v61 =	vld [tilespmem:s22+$0x990]  }
0xb9: {  	v62 =	vld [tilespmem:s23+$0x1190]  }
0xba: {  	v63 =	vld [tilespmem:s24+$0x1990]  }
0xbb: {  	(v2sf) =	vpush v16, $0x8;
	v32 =	vld [tilespmem:s22+$0x9A0]  }
0xbc: {  	(v2sf) =	vpush v17, $0x8;
	v33 =	vld [tilespmem:s23+$0x11A0]  }
0xbd: {  	(v2sf) =	vpush v18, $0x8;
	v34 =	vld [tilespmem:s24+$0x19A0]  }
0xbe: {  	v35 =	vld [tilespmem:s23+$0x11B0];
	v20 =	vsub.f32 v59, v60  }
0xbf: {  	v36 =	vld [tilespmem:s24+$0x19B0]  }
0xc0: {  	v37 =	vsub.f32 v62, v63;
	v19 =	vmul.f32 v20, v19  }
0xc1: {  	v38 =	vld [tilespmem:s22+$0x9B0]  }
0xc2: {  	v39 =	vsub.f32 v33, v34;
	v20 =	vmul.f32 v37, v61;
	v19 =	vadd.f32 $0.0e+00, v19;
	_ =	sdelay $0x1  }
0xc3: {  	v21 =	vsub.f32 v35, v36;
	v40 =	vmul.f32 v39, v32;
	v19 =	vadd.f32 v20, v19;
	_ =	sdelay $0x1  }
0xc4: {  	v41 =	vmul.f32 v21, v38;
	v19 =	vadd.f32 v40, v19;
	_ =	sdelay $0x1  }
0xc5: {  	v19 =	vadd.f32 v41, v19;
	_ =	sdelay $0x1  }
0xc6: {  	s25 =	spop (v2sf);
	[tilespmem:v7+s14+$0x0] =	vst.idx.msk $0xffff, v19  }
0xc7: {  	s26 =	spop (v2sf);
	v19 =	vld [tilespmem:s25+$0xA00]  }
0xc8: {  	s28 =	spop (v2sf);
	v42 =	vld [tilespmem:s26+$0x1200]  }
0xc9: {  	v43 =	vld [tilespmem:s28+$0x1A00]  }
0xca: {  	v44 =	vld [tilespmem:s25+$0xA10]  }
0xcb: {  	v45 =	vld [tilespmem:s26+$0x1210]  }
0xcc: {  	v46 =	vld [tilespmem:s28+$0x1A10]  }
0xcd: {  	(v2sf) =	vpush v16, $0x9;
	v47 =	vld [tilespmem:s25+$0xA20]  }
0xce: {  	(v2sf) =	vpush v17, $0x9;
	v48 =	vld [tilespmem:s26+$0x1220]  }
0xcf: {  	(v2sf) =	vpush v18, $0x9;
	v49 =	vld [tilespmem:s28+$0x1A20]  }
0xd0: {  	v50 =	vld [tilespmem:s26+$0x1230];
	v20 =	vsub.f32 v42, v43  }
0xd1: {  	v51 =	vld [tilespmem:s28+$0x1A30]  }
0xd2: {  	v52 =	vsub.f32 v45, v46;
	v19 =	vmul.f32 v20, v19  }
0xd3: {  	v53 =	vld [tilespmem:s25+$0xA30]  }
0xd4: {  	v54 =	vsub.f32 v48, v49;
	v20 =	vmul.f32 v52, v44;
	v19 =	vadd.f32 $0.0e+00, v19;
	_ =	sdelay $0x1  }
0xd5: {  	v21 =	vsub.f32 v50, v51;
	v55 =	vmul.f32 v54, v47;
	v19 =	vadd.f32 v20, v19;
	_ =	sdelay $0x1  }
0xd6: {  	v56 =	vmul.f32 v21, v53;
	v19 =	vadd.f32 v55, v19;
	_ =	sdelay $0x1  }
0xd7: {  	v19 =	vadd.f32 v56, v19;
	_ =	sdelay $0x1  }
0xd8: {  	s29 =	spop (v2sf);
	[tilespmem:v8+s14+$0x0] =	vst.idx.msk $0xffff, v19  }
0xd9: {  	s30 =	spop (v2sf);
	v19 =	vld [tilespmem:s29+$0xA80]  }
0xda: {  	s31 =	spop (v2sf);
	v57 =	vld [tilespmem:s30+$0x1280]  }
0xdb: {  	v58 =	vld [tilespmem:s31+$0x1A80]  }
0xdc: {  	v59 =	vld [tilespmem:s29+$0xA90]  }
0xdd: {  	v60 =	vld [tilespmem:s30+$0x1290]  }
0xde: {  	v61 =	vld [tilespmem:s31+$0x1A90]  }
0xdf: {  	(v2sf) =	vpush v16, $0xA;
	v62 =	vld [tilespmem:s29+$0xAA0]  }
0xe0: {  	(v2sf) =	vpush v17, $0xA;
	v63 =	vld [tilespmem:s30+$0x12A0]  }
0xe1: {  	(v2sf) =	vpush v18, $0xA;
	v32 =	vld [tilespmem:s31+$0x1AA0]  }
0xe2: {  	v33 =	vld [tilespmem:s30+$0x12B0];
	v20 =	vsub.f32 v57, v58  }
0xe3: {  	v34 =	vld [tilespmem:s31+$0x1AB0]  }
0xe4: {  	v35 =	vsub.f32 v60, v61;
	v19 =	vmul.f32 v20, v19  }
0xe5: {  	v36 =	vld [tilespmem:s29+$0xAB0]  }
0xe6: {  	v37 =	vsub.f32 v63, v32;
	v20 =	vmul.f32 v35, v59;
	v19 =	vadd.f32 $0.0e+00, v19;
	_ =	sdelay $0x1  }
0xe7: {  	v21 =	vsub.f32 v33, v34;
	v38 =	vmul.f32 v37, v62;
	v19 =	vadd.f32 v20, v19;
	_ =	sdelay $0x1  }
0xe8: {  	v39 =	vmul.f32 v21, v36;
	v19 =	vadd.f32 v38, v19;
	_ =	sdelay $0x1  }
0xe9: {  	v19 =	vadd.f32 v39, v19;
	_ =	sdelay $0x1  }
0xea: {  	s22 =	spop (v2sf);
	[tilespmem:v9+s14+$0x0] =	vst.idx.msk $0xffff, v19  }
0xeb: {  	s23 =	spop (v2sf);
	v19 =	vld [tilespmem:s22+$0xB00]  }
0xec: {  	s24 =	spop (v2sf);
	v40 =	vld [tilespmem:s23+$0x1300]  }
0xed: {  	v41 =	vld [tilespmem:s24+$0x1B00]  }
0xee: {  	v42 =	vld [tilespmem:s22+$0xB10]  }
0xef: {  	v43 =	vld [tilespmem:s23+$0x1310]  }
0xf0: {  	v44 =	vld [tilespmem:s24+$0x1B10]  }
0xf1: {  	(v2sf) =	vpush v16, $0xB;
	v45 =	vld [tilespmem:s22+$0xB20]  }
0xf2: {  	(v2sf) =	vpush v17, $0xB;
	v46 =	vld [tilespmem:s23+$0x1320]  }
0xf3: {  	(v2sf) =	vpush v18, $0xB;
	v47 =	vld [tilespmem:s24+$0x1B20]  }
0xf4: {  	v48 =	vld [tilespmem:s23+$0x1330];
	v20 =	vsub.f32 v40, v41  }
0xf5: {  	v49 =	vld [tilespmem:s24+$0x1B30]  }
0xf6: {  	v50 =	vsub.f32 v43, v44;
	v19 =	vmul.f32 v20, v19  }
0xf7: {  	v51 =	vld [tilespmem:s22+$0xB30]  }
0xf8: {  	v52 =	vsub.f32 v46, v47;
	v20 =	vmul.f32 v50, v42;
	v19 =	vadd.f32 $0.0e+00, v19;
	_ =	sdelay $0x1  }
0xf9: {  	v21 =	vsub.f32 v48, v49;
	v53 =	vmul.f32 v52, v45;
	v19 =	vadd.f32 v20, v19;
	_ =	sdelay $0x1  }
0xfa: {  	v54 =	vmul.f32 v21, v51;
	v19 =	vadd.f32 v53, v19;
	_ =	sdelay $0x1  }
0xfb: {  	v19 =	vadd.f32 v54, v19;
	_ =	sdelay $0x1  }
0xfc: {  	s25 =	spop (v2sf);
	[tilespmem:v10+s14+$0x0] =	vst.idx.msk $0xffff, v19  }
0xfd: {  	s26 =	spop (v2sf);
	v19 =	vld [tilespmem:s25+$0xB80]  }
0xfe: {  	s28 =	spop (v2sf);
	v55 =	vld [tilespmem:s26+$0x1380]  }
0xff: {  	v56 =	vld [tilespmem:s28+$0x1B80]  }
0x100: {  	v57 =	vld [tilespmem:s25+$0xB90]  }
0x101: {  	v58 =	vld [tilespmem:s26+$0x1390]  }
0x102: {  	v59 =	vld [tilespmem:s28+$0x1B90]  }
0x103: {  	(v2sf) =	vpush v16, $0xC;
	v60 =	vld [tilespmem:s25+$0xBA0]  }
0x104: {  	(v2sf) =	vpush v17, $0xC;
	v61 =	vld [tilespmem:s26+$0x13A0]  }
0x105: {  	(v2sf) =	vpush v18, $0xC;
	v62 =	vld [tilespmem:s28+$0x1BA0]  }
0x106: {  	v63 =	vld [tilespmem:s26+$0x13B0];
	v20 =	vsub.f32 v55, v56  }
0x107: {  	v32 =	vld [tilespmem:s28+$0x1BB0]  }
0x108: {  	v33 =	vsub.f32 v58, v59;
	v19 =	vmul.f32 v20, v19  }
0x109: {  	v34 =	vld [tilespmem:s25+$0xBB0]  }
0x10a: {  	v35 =	vsub.f32 v61, v62;
	v20 =	vmul.f32 v33, v57;
	v19 =	vadd.f32 $0.0e+00, v19;
	_ =	sdelay $0x1  }
0x10b: {  	v21 =	vsub.f32 v63, v32;
	v36 =	vmul.f32 v35, v60;
	v19 =	vadd.f32 v20, v19;
	_ =	sdelay $0x1  }
0x10c: {  	v37 =	vmul.f32 v21, v34;
	v19 =	vadd.f32 v36, v19;
	_ =	sdelay $0x1  }
0x10d: {  	v19 =	vadd.f32 v37, v19;
	_ =	sdelay $0x1  }
0x10e: {  	s29 =	spop (v2sf);
	[tilespmem:v11+s14+$0x0] =	vst.idx.msk $0xffff, v19  }
0x10f: {  	s30 =	spop (v2sf);
	v19 =	vld [tilespmem:s29+$0xC00]  }
0x110: {  	s31 =	spop (v2sf);
	v38 =	vld [tilespmem:s30+$0x1400]  }
0x111: {  	v39 =	vld [tilespmem:s31+$0x1C00]  }
0x112: {  	v40 =	vld [tilespmem:s29+$0xC10]  }
0x113: {  	v41 =	vld [tilespmem:s30+$0x1410]  }
0x114: {  	v42 =	vld [tilespmem:s31+$0x1C10]  }
0x115: {  	(v2sf) =	vpush v16, $0xD;
	v43 =	vld [tilespmem:s29+$0xC20]  }
0x116: {  	(v2sf) =	vpush v17, $0xD;
	v44 =	vld [tilespmem:s30+$0x1420]  }
0x117: {  	(v2sf) =	vpush v18, $0xD;
	v45 =	vld [tilespmem:s31+$0x1C20]  }
0x118: {  	v46 =	vld [tilespmem:s30+$0x1430];
	v20 =	vsub.f32 v38, v39  }
0x119: {  	v47 =	vld [tilespmem:s31+$0x1C30]  }
0x11a: {  	v48 =	vsub.f32 v41, v42;
	v19 =	vmul.f32 v20, v19  }
0x11b: {  	v49 =	vld [tilespmem:s29+$0xC30]  }
0x11c: {  	v50 =	vsub.f32 v44, v45;
	v20 =	vmul.f32 v48, v40;
	v19 =	vadd.f32 $0.0e+00, v19;
	_ =	sdelay $0x1  }
0x11d: {  	v21 =	vsub.f32 v46, v47;
	v51 =	vmul.f32 v50, v43;
	v19 =	vadd.f32 v20, v19;
	_ =	sdelay $0x1  }
0x11e: {  	v52 =	vmul.f32 v21, v49;
	v19 =	vadd.f32 v51, v19;
	_ =	sdelay $0x1  }
0x11f: {  	v19 =	vadd.f32 v52, v19;
	_ =	sdelay $0x1  }
0x120: {  	s22 =	spop (v2sf);
	[tilespmem:v12+s14+$0x0] =	vst.idx.msk $0xffff, v19  }
0x121: {  	s23 =	spop (v2sf);
	v19 =	vld [tilespmem:s22+$0xC80]  }
0x122: {  	s24 =	spop (v2sf);
	v53 =	vld [tilespmem:s23+$0x1480]  }
0x123: {  	v54 =	vld [tilespmem:s24+$0x1C80]  }
0x124: {  	v55 =	vld [tilespmem:s22+$0xC90]  }
0x125: {  	v56 =	vld [tilespmem:s23+$0x1490]  }
0x126: {  	v57 =	vld [tilespmem:s24+$0x1C90]  }
0x127: {  	(v2sf) =	vpush v16, $0xE;
	v58 =	vld [tilespmem:s22+$0xCA0]  }
0x128: {  	(v2sf) =	vpush v17, $0xE;
	v59 =	vld [tilespmem:s23+$0x14A0]  }
0x129: {  	(v2sf) =	vpush v18, $0xE;
	v60 =	vld [tilespmem:s24+$0x1CA0]  }
0x12a: {  	v61 =	vld [tilespmem:s23+$0x14B0];
	v20 =	vsub.f32 v53, v54  }
0x12b: {  	v62 =	vld [tilespmem:s24+$0x1CB0]  }
0x12c: {  	v63 =	vsub.f32 v56, v57;
	v19 =	vmul.f32 v20, v19  }
0x12d: {  	v24 =	vld [tilespmem:s22+$0xCB0]  }
0x12e: {  	v27 =	vsub.f32 v59, v60;
	v20 =	vmul.f32 v63, v55;
	v19 =	vadd.f32 $0.0e+00, v19;
	_ =	sdelay $0x1  }
0x12f: {  	v21 =	vsub.f32 v61, v62;
	v29 =	vmul.f32 v27, v58;
	v19 =	vadd.f32 v20, v19;
	_ =	sdelay $0x1  }
0x130: {  	v30 =	vmul.f32 v21, v24;
	v19 =	vadd.f32 v29, v19;
	_ =	sdelay $0x1  }
0x131: {  	v19 =	vadd.f32 v30, v19;
	_ =	sdelay $0x1  }
0x132: {  	s25 =	spop (v2sf);
	[tilespmem:v13+s14+$0x0] =	vst.idx.msk $0xffff, v19  }
0x133: {  	s26 =	spop (v2sf);
	v19 =	vld [tilespmem:s25+$0xD00]  }
0x134: {  	s28 =	spop (v2sf);
	v31 =	vld [tilespmem:s26+$0x1500]  }
0x135: {  	v32 =	vld [tilespmem:s28+$0x1D00]  }
0x136: {  	v33 =	vld [tilespmem:s25+$0xD10]  }
0x137: {  	v34 =	vld [tilespmem:s26+$0x1510]  }
0x138: {  	v35 =	vld [tilespmem:s28+$0x1D10]  }
0x139: {  	(v2sf) =	vpush v16, $0xF;
	v36 =	vld [tilespmem:s25+$0xD20]  }
0x13a: {  	(v2sf) =	vpush v17, $0xF;
	v16 =	vld [tilespmem:s26+$0x1520]  }
0x13b: {  	(v2sf) =	vpush v18, $0xF;
	v17 =	vld [tilespmem:s28+$0x1D20]  }
0x13c: {  	v38 =	vld [tilespmem:s26+$0x1530];
	v37 =	vsub.f32 v31, v32  }
0x13d: {  	v39 =	vld [tilespmem:s28+$0x1D30]  }
0x13e: {  	v40 =	vsub.f32 v34, v35;
	v18 =	vmul.f32 v37, v19  }
0x13f: {  	v41 =	vld [tilespmem:s25+$0xD30]  }
0x140: {  	v16 =	vsub.f32 v16, v17;
	v19 =	vmul.f32 v40, v33;
	v18 =	vadd.f32 $0.0e+00, v18;
	_ =	sdelay $0x1  }
0x141: {  	v42 =	vsub.f32 v38, v39;
	v16 =	vmul.f32 v16, v36;
	v17 =	vadd.f32 v19, v18;
	_ =	sdelay $0x1  }
0x142: {  	v16 =	vadd.f32 v16, v17;
	v17 =	vmul.f32 v42, v41;
	_ =	sdelay $0x1  }
0x143: {  	v16 =	vadd.f32 v17, v16;
	_ =	sdelay $0x1  }
0x144: {  	s29 =	spop (v2sf);
	[tilespmem:v14+s14+$0x0] =	vst.idx.msk $0xffff, v16  }
0x145: {  	s30 =	spop (v2sf);
	v16 =	vld [tilespmem:s29+$0xD80]  }
0x146: {  	s31 =	spop (v2sf);
	v17 =	vld [tilespmem:s30+$0x1580]  }
0x147: {  	v43 =	vld [tilespmem:s31+$0x1D80]  }
0x148: {  	v44 =	vld [tilespmem:s29+$0xD90]  }
0x149: {  	v45 =	vld [tilespmem:s30+$0x1590]  }
0x14a: {  	v46 =	vld [tilespmem:s31+$0x1D90]  }
0x14b: {  	v47 =	vld [tilespmem:s29+$0xDA0]  }
0x14c: {  	v48 =	vld [tilespmem:s30+$0x15A0]  }
0x14d: {  	v49 =	vld [tilespmem:s31+$0x1DA0]  }
0x14e: {  	v50 =	vld [tilespmem:s30+$0x15B0];
	v17 =	vsub.f32 v17, v43  }
0x14f: {  	v51 =	vld [tilespmem:s31+$0x1DB0]  }
0x150: {  	v16 =	vmul.f32 v17, v16;
	v17 =	vsub.f32 v45, v46  }
0x151: {  	v52 =	vld [tilespmem:s29+$0xDB0]  }
0x152: {  	v53 =	vsub.f32 v48, v49;
	v17 =	vmul.f32 v17, v44;
	v16 =	vadd.f32 $0.0e+00, v16;
	_ =	sdelay $0x1  }
0x153: {  	v18 =	vsub.f32 v50, v51;
	v16 =	vadd.f32 v17, v16;
	v17 =	vmul.f32 v53, v47;
	_ =	sdelay $0x1  }
0x154: {  	v16 =	vadd.f32 v17, v16;
	v17 =	vmul.f32 v18, v52;
	_ =	sdelay $0x1  }
0x155: {  	v16 =	vadd.f32 v17, v16;
	_ =	sdelay $0x1  }
0x156: {  	[tilespmem:v15+s14+$0x0] =	vst.idx.msk $0xffff, v16  }
0x157: {  	v16 =	vld [tilespmem:$0x1E00]  }
0x158: {  	v17 =	vld [tilespmem:$0x1E80];
	_ =	sdelay $0x1  }
0x159: {  	v54 =	vld [tilespmem:$0x1F00];
	_ =	sdelay $0x1  }
0x15a: {  	v55 =	vld [tilespmem:$0x1F80]  }
0x15b: {  	v16 =	vadd.f32 v17, v16  }
0x15c: {  	v17 =	vld [tilespmem:$0x2000]  }
0x15d: {  	v16 =	vadd.f32 v54, v16  }
0x15e: {  	v56 =	vld [tilespmem:$0x2080]  }
0x15f: {  	v16 =	vadd.f32 v55, v16  }
0x160: {  	v57 =	vld [tilespmem:$0x2100]  }
0x161: {  	v16 =	vadd.f32 v17, v16  }
0x162: {  	v17 =	vld [tilespmem:$0x2180]  }
0x163: {  	v16 =	vadd.f32 v56, v16  }
0x164: {  	v58 =	vld [tilespmem:$0x2200]  }
0x165: {  	v16 =	vadd.f32 v57, v16  }
0x166: {  	v59 =	vld [tilespmem:$0x2280]  }
0x167: {  	v16 =	vadd.f32 v17, v16  }
0x168: {  	v17 =	vld [tilespmem:$0x2300]  }
0x169: {  	v16 =	vadd.f32 v58, v16  }
0x16a: {  	v60 =	vld [tilespmem:$0x2380]  }
0x16b: {  	v16 =	vadd.f32 v59, v16  }
0x16c: {  	v61 =	vld [tilespmem:$0x2400]  }
0x16d: {  	v16 =	vadd.f32 v17, v16  }
0x16e: {  	v17 =	vld [tilespmem:$0x2480]  }
0x16f: {  	v16 =	vadd.f32 v60, v16  }
0x170: {  	v62 =	vld [tilespmem:$0x2500]  }
0x171: {  	v16 =	vadd.f32 v61, v16  }
0x172: {  	v63 =	vld [tilespmem:$0x2580]  }
0x173: {  	v16 =	vadd.f32 v17, v16  }
0x174: {  	p0 =	sne.s32 s17, $0x7C0  }
.Ltmp0:
0x175: {  	v16 =	vadd.f32 v62, v16;
	(pc) =	sbr.rel @p0 .LBB2_2-.Ltmp0, $3  }
0x176: {  	_ = 	snop  }
0x177: {  	v16 =	vadd.f32 v63, v16;
	_ =	sdelay $0x1  }
0x178: {  	s17 =	sadd.s32 $0x40, s17;
	[tilespmem:s18+$0x2600] =	vst v16  }
0x179: {  	s16 =	sadd.s32 $0x1, s16  }
0x17a: {  	p0 =	sne.s32 s16, s8  }
.Ltmp1:
0x17b: {  	_ = 	snop;
	(pc) =	sbr.rel @p0 .LBB2_1-.Ltmp1, $4  }
0x17c: {  	[hbm4b:s7+s2] =	stream.linear.scatter [tilespmem:s15], [sflag:$0x2], $0x200, $0x38;
	[tilespmem:$0x2800] =	vst v63  }
0x17d: {  	_ =	swait.ge [sflag:s11], $0x200  }
0x17e: {  	[sflag:s11] =	ssyncset.done $0x0  }
0x17f: {  	[sflag:s11] =	ssyncadd.s32 $0xFFFFFE00  }
0x180: {  	_ =	sfence.sel $0x180000  }
0x181: {  	[bflag:$0x0] =	sbarrier.arrive $0xFFFF  }
0x182: {  	p0 =	sne.s32 s0, $0x0;
	_ =	strace $0x90000047  }
0x183: {  	s0 =	sadd.s32 @!p0 $0x100000, s1;
	[bflag:$0x2] =	sbarrier.arrive $0xFFFF  }
0x184: {  	[sflag:s0] =	ssyncadd.tile.s32 @!p0 $0x1;
	_ =	shalt  }
.Lfunc_end2:
_tile_overlayer_lowered:
.L_overlay_start_2:
0x185: {  	(tag) =	ssettag $0x2  }
0x186: {  	s0 =	rddreg [dreg:$0x0];
	s2 =	stileid.u32  }
0x187: {  	s1 =	rddreg [dreg:$0x1];
	p0 =	sne.s32 s2, $0x0  }
0x188: {  	s3 =	rddreg [dreg:$0x2];
	[bflag:$0x3] =	sbarrier.arrive $0xFFFF;
	s2 =	simm.s32 @!p0 $0x1C02  }
0x189: {  	[timem:s3], [sflag:s2] =	dma.local @!p0 [hbm:s0], s1  }
0x18a: {  	s0 =	simm.s32 @!p0 $0x2  }
0x18b: {  	_ =	swait.ge @!p0 [sflag:s0], s1  }
0x18c: {  	s1 =	ssub.s32 @!p0 $0x0, s1;
	[sflag:s0] =	ssyncset.done @!p0 $0x0  }
0x18d: {  	[sflag:s0] =	ssyncadd.s32 @!p0 s1  }
0x18e: {  	[bflag:$0x3] =	sbarrier.arrive $0xFFFF  }
0x18f: {  	_ =	shalt  }

</sc_bundles>
